<compile_context>
chip_gen: v7x
topology: tpu7x:2x2x1
jax: 0.10.2.dev20260603
libtpu: 0.0.44.dev20260713+nightly
codegen_flags: <defaults>
</compile_context>

<pallas_src>
import jax
import jax.numpy as jnp
from jax import lax
from jax.experimental import pallas as pl
from jax.experimental.pallas import tpu as pltpu
from jax.experimental.pallas import tpu_sc as plsc

N = 10000
H = 128
E = 320000
EL = 50000
NC, NS, L = 2, 16, 16
NACC = 10240
RPT = NACC // NS
CH = 128
EPT = 20224
NCH = EPT // CH
CNTW = 16
TRASH = N
ELP = 53248
ELCH = ELP // (NC * NS * CH)

_MESH = plsc.VectorSubcoreMesh(core_axis_name="c", subcore_axis_name="s")


def _seg_body(tab, ivx, zrows, acc_out, iv0, iv1, rows0, rows1, acc_sh,
              sg0, sg1, si0, si1):
    c = lax.axis_index("c")
    s = lax.axis_index("s")
    wid = c * NS + s
    tb = s * RPT
    iv = (iv0, iv1)
    rows = (rows0, rows1)
    sg = (sg0, sg1)
    si = (si0, si1)

    pltpu.sync_copy(zrows, acc_sh.at[pl.ds(tb, RPT)])
    plsc.subcore_barrier()

    def halfstep(j, r):
        nr = 1 - r
        d = pltpu.async_copy(tab.at[iv[r].at[0]], rows[r], sg[r])

        @pl.when(j + 1 < NCH)
        def _():
            pltpu.async_copy(ivx.at[wid, j + 1], iv[nr], si[nr])

        d.wait()
        pltpu.sync_copy(rows[r], acc_sh.at[iv[r].at[1]], add=True)

        @pl.when(j + 1 < NCH)
        def _():
            pltpu.make_async_copy(ivx.at[wid, j + 1], iv[nr], si[nr]).wait()

    def pair(k, _):
        halfstep(2 * k, 0)
        halfstep(2 * k + 1, 1)
        return 0

    pltpu.sync_copy(ivx.at[wid, 0], iv0)
    lax.fori_loop(0, NCH // 2, pair, 0)

    plsc.subcore_barrier()

    pltpu.sync_copy(acc_sh.at[pl.ds(tb, RPT)], acc_out.at[c, pl.ds(tb, RPT)])


_seg_sum = pl.kernel(
    _seg_body,
    out_type=jax.ShapeDtypeStruct((NC, NACC, H), jnp.float32),
    mesh=_MESH,
    scratch_types=[
        pltpu.VMEM((2, CH), jnp.int32),
        pltpu.VMEM((2, CH), jnp.int32),
        pltpu.VMEM((CH, H), jnp.float32),
        pltpu.VMEM((CH, H), jnp.float32),
        pltpu.VMEM_SHARED((NACC, H), jnp.float32),
        pltpu.SemaphoreType.DMA,
        pltpu.SemaphoreType.DMA,
        pltpu.SemaphoreType.DMA,
        pltpu.SemaphoreType.DMA,
    ])


def _cnt_body(ivx, ones, zrows, cnt_out, iv0, iv1, rows, cnt_sh, ss0, ss1):
    c = lax.axis_index("c")
    s = lax.axis_index("s")
    wid = c * NS + s
    tb = s * RPT
    iv = (iv0, iv1)
    ss = (ss0, ss1)

    pltpu.sync_copy(zrows, cnt_sh.at[pl.ds(tb, RPT)])
    pltpu.sync_copy(ones, rows)
    plsc.subcore_barrier()

    def halfstep(j, r):
        @pl.when(j >= 2)
        def _():
            pltpu.make_async_copy(ones, rows, ss[r]).wait()
        pltpu.sync_copy(ivx.at[wid, j], iv[r])
        pltpu.async_copy(rows, cnt_sh.at[iv[r].at[1]], ss[r], add=True)

    def pair(k, _):
        halfstep(2 * k, 0)
        halfstep(2 * k + 1, 1)
        return 0

    lax.fori_loop(0, NCH // 2, pair, 0)
    pltpu.make_async_copy(ones, rows, ss0).wait()
    pltpu.make_async_copy(ones, rows, ss1).wait()

    plsc.subcore_barrier()
    pltpu.sync_copy(cnt_sh.at[pl.ds(tb, RPT)], cnt_out.at[c, pl.ds(tb, RPT)])


_cnt_sum = pl.kernel(
    _cnt_body,
    out_type=jax.ShapeDtypeStruct((NC, NACC, H), jnp.float32),
    mesh=_MESH,
    scratch_types=[
        pltpu.VMEM((2, CH), jnp.int32),
        pltpu.VMEM((2, CH), jnp.int32),
        pltpu.VMEM((CH, H), jnp.float32),
        pltpu.VMEM_SHARED((NACC, H), jnp.float32),
        pltpu.SemaphoreType.DMA,
        pltpu.SemaphoreType.DMA,
    ])


def _cls_body(tab, uidx, midx, uout, mout,
              uiv0, miv0, ubuf0, mbuf0, sgu0, sgm0):
    c = lax.axis_index("c")
    s = lax.axis_index("s")
    wid = c * NS + s
    base0 = wid * ELCH * CH

    def step(j, _):
        base = base0 + j * CH
        pltpu.sync_copy(uidx.at[pl.ds(base, CH)], uiv0)
        pltpu.sync_copy(midx.at[pl.ds(base, CH)], miv0)
        du = pltpu.async_copy(tab.at[uiv0], ubuf0, sgu0)
        dm = pltpu.async_copy(tab.at[miv0], mbuf0, sgm0)
        du.wait()
        dm.wait()
        pltpu.sync_copy(ubuf0, uout.at[pl.ds(base, CH)])
        pltpu.sync_copy(mbuf0, mout.at[pl.ds(base, CH)])
        return 0

    lax.fori_loop(0, ELCH, step, 0)


_cls_gather = pl.kernel(
    _cls_body,
    out_type=(jax.ShapeDtypeStruct((ELP, H), jnp.float32),
              jax.ShapeDtypeStruct((ELP, H), jnp.float32)),
    mesh=_MESH,
    scratch_types=[
        pltpu.VMEM((CH,), jnp.int32),
        pltpu.VMEM((CH,), jnp.int32),
        pltpu.VMEM((CH, H), jnp.float32),
        pltpu.VMEM((CH, H), jnp.float32),
        pltpu.SemaphoreType.DMA,
        pltpu.SemaphoreType.DMA,
    ])



_GB = 2000


def _movie_proj(mx, wm, bm, memb):
    def body(x_ref, w_ref, b_ref, e_ref, o_ref):
        o_ref[...] = (jnp.dot(x_ref[...], w_ref[...],
                              preferred_element_type=jnp.float32)
                      + b_ref[...] + e_ref[...])

    return pl.pallas_call(
        body,
        grid=(N // _GB,),
        in_specs=[
            pl.BlockSpec((_GB, H), lambda g: (g, 0)),
            pl.BlockSpec((H, H), lambda g: (0, 0)),
            pl.BlockSpec((1, H), lambda g: (0, 0)),
            pl.BlockSpec((_GB, H), lambda g: (g, 0)),
        ],
        out_specs=pl.BlockSpec((_GB, H), lambda g: (g, 0)),
        out_shape=jax.ShapeDtypeStruct((N, H), jnp.float32),
    )(mx, wm, bm, memb)


def _combine(x, agg, cnt, wl, wr, b, relu):
    ngrid = 2 * N // _GB
    half = ngrid // 2

    def body(x_ref, a_ref, c_ref, wl_ref, wr_ref, b_ref, o_ref):
        inv = 1.0 / jnp.maximum(c_ref[:, :1], 1.0)
        h = (jnp.dot(x_ref[...], wl_ref[0],
                     preferred_element_type=jnp.float32)
             + jnp.dot(a_ref[...] * inv, wr_ref[0],
                       preferred_element_type=jnp.float32)
             + b_ref[0])
        o_ref[...] = jnp.maximum(h, 0.0) if relu else h

    return pl.pallas_call(
        body,
        grid=(ngrid,),
        in_specs=[
            pl.BlockSpec((_GB, H), lambda g: (g, 0)),
            pl.BlockSpec((_GB, H), lambda g: (g, 0)),
            pl.BlockSpec((_GB, 8), lambda g: (g, 0)),
            pl.BlockSpec((1, H, H), lambda g: (g // half, 0, 0)),
            pl.BlockSpec((1, H, H), lambda g: (g // half, 0, 0)),
            pl.BlockSpec((1, 1, H), lambda g: (g // half, 0, 0)),
        ],
        out_specs=pl.BlockSpec((_GB, H), lambda g: (g, 0)),
        out_shape=jax.ShapeDtypeStruct((2 * N, H), jnp.float32),
    )(x, agg, cnt, wl, wr, b)


def _cls_matmul(u, m, wc, bc):
    gb = 2048

    def body(u_ref, m_ref, w_ref, b_ref, o_ref):
        o_ref[...] = (jnp.dot(u_ref[...] * m_ref[...], w_ref[...],
                              preferred_element_type=jnp.float32)
                      + b_ref[...])

    return pl.pallas_call(
        body,
        grid=(ELP // gb,),
        in_specs=[
            pl.BlockSpec((gb, H), lambda g: (g, 0)),
            pl.BlockSpec((gb, H), lambda g: (g, 0)),
            pl.BlockSpec((H, 8), lambda g: (0, 0)),
            pl.BlockSpec((1, 8), lambda g: (0, 0)),
        ],
        out_specs=pl.BlockSpec((gb, 8), lambda g: (g, 0)),
        out_shape=jax.ShapeDtypeStruct((ELP, 8), jnp.float32),
    )(u, m, wc, bc)




def _prep_edge_dir(g, s):
    padw = EPT - E // NS
    g = g.reshape(NS, E // NS)
    s = s.reshape(NS, E // NS)
    g = jnp.pad(g, ((0, 0), (0, padw)))
    s = jnp.pad(s, ((0, 0), (0, padw)), constant_values=TRASH)
    return jnp.stack([g.reshape(NS, NCH, CH), s.reshape(NS, NCH, CH)],
                     axis=2)


def kernel(user_node_id, movie_x, movie_node_id, edge_index_u2m,
           edge_index_m2u, edge_label_index, user_emb, movie_emb,
           W_movie_lin, b_movie_lin, Wl1_movie, Wr1_movie, b1_movie,
           Wl1_user, Wr1_user, b1_user, Wl2_movie, Wr2_movie, b2_movie,
           Wl2_user, Wr2_user, b2_user, W_cls, b_cls):
    f = movie_x.shape[1]
    mx = jnp.pad(movie_x, ((0, 0), (0, H - f)))
    wm = jnp.pad(W_movie_lin, ((0, H - f), (0, 0)))
    x_movie = _movie_proj(mx, wm, b_movie_lin.reshape(1, H), movie_emb)
    table1 = jnp.concatenate([x_movie, user_emb], axis=0)

    iv0 = _prep_edge_dir(edge_index_m2u[0], edge_index_m2u[1])
    iv1 = _prep_edge_dir(edge_index_u2m[0] + N, edge_index_u2m[1])
    ivx = jnp.concatenate([iv0, iv1], axis=0)

    zrows = jnp.zeros((RPT, H), jnp.float32)
    ones = jnp.ones((CH, H), jnp.float32)
    cnt1 = _cnt_sum(ivx, ones, zrows)
    acc1 = _seg_sum(table1, ivx, zrows)
    agg1 = jnp.concatenate([acc1[1, :N], acc1[0, :N]], axis=0)
    cntc = jnp.concatenate([cnt1[1, :N, :8], cnt1[0, :N, :8]], axis=0)

    wl1 = jnp.stack([Wl1_movie, Wl1_user])
    wr1 = jnp.stack([Wr1_movie, Wr1_user])
    b1 = jnp.stack([b1_movie, b1_user]).reshape(2, 1, H)
    table2 = _combine(table1, agg1, cntc, wl1, wr1, b1, relu=True)

    acc2 = _seg_sum(table2, ivx, zrows)
    agg2 = jnp.concatenate([acc2[1, :N], acc2[0, :N]], axis=0)

    wl2 = jnp.stack([Wl2_movie, Wl2_user])
    wr2 = jnp.stack([Wr2_movie, Wr2_user])
    b2 = jnp.stack([b2_movie, b2_user]).reshape(2, 1, H)
    table3 = _combine(table2, agg2, cntc, wl2, wr2, b2, relu=False)

    uidx = jnp.pad(edge_label_index[0], (0, ELP - EL)) + N
    midx = jnp.pad(edge_label_index[1], (0, ELP - EL))
    uf, mf = _cls_gather(table3, uidx, midx)

    wc = jnp.pad(W_cls, ((0, 0), (0, 8 - W_cls.shape[1])))
    bc = jnp.pad(b_cls, (0, 8 - b_cls.shape[0])).reshape(1, 8)
    pred = _cls_matmul(uf, mf, wc, bc)
    return pred[:EL, :2]

# --- scband reference (transcript-rebuilt; emitter-appended) ---
"""Pipeline reference for scband-hetero-gnn-49933289783548 (READ-ONLY COPY).

The authoritative reference and input builder live on the scoring server;
editing this copy changes nothing except your own understanding.
"""

import jax, jax.numpy as jnp
import numpy as np

NUM_USERS = 10000
NUM_MOVIES = 10000
HID = 128
NUM_CLASSES = 2
E = 320000
EL = 50000
MOVIE_FEAT = 20


def _glorot(key, shape):
    fan_in, fan_out = shape[0], shape[1]
    lim = np.sqrt(6.0 / (fan_in + fan_out))
    return jax.random.uniform(key, shape, jnp.float32, -lim, lim)


def setup_inputs(seed: int = 0) -> dict:
    key = jax.random.key(seed)
    ks = jax.random.split(key, 32)
    inp = {}
    # forward tensor args
    inp["user_node_id"] = jnp.arange(NUM_USERS, dtype=jnp.int32)
    inp["movie_x"] = jax.random.normal(ks[0], (NUM_MOVIES, MOVIE_FEAT), jnp.float32)
    inp["movie_node_id"] = jnp.arange(NUM_MOVIES, dtype=jnp.int32)
    src_u = jax.random.randint(ks[1], (E,), 0, NUM_USERS, jnp.int32)
    dst_m = jax.random.randint(ks[2], (E,), 0, NUM_MOVIES, jnp.int32)
    inp["edge_index_u2m"] = jnp.stack([src_u, dst_m])
    inp["edge_index_m2u"] = jnp.stack([dst_m, src_u])
    inp["edge_label_index"] = jnp.stack([
        jax.random.randint(ks[3], (EL,), 0, NUM_USERS, jnp.int32),
        jax.random.randint(ks[4], (EL,), 0, NUM_MOVIES, jnp.int32),
    ])
    # learned parameters
    inp["user_emb"] = jax.random.normal(ks[5], (NUM_USERS, HID), jnp.float32) * 0.02
    inp["movie_emb"] = jax.random.normal(ks[6], (NUM_MOVIES, HID), jnp.float32) * 0.02
    inp["W_movie_lin"] = _glorot(ks[7], (MOVIE_FEAT, HID))
    inp["b_movie_lin"] = jnp.zeros((HID,), jnp.float32)
    # hetero GraphSAGE, 2 layers x 2 edge types; each SAGEConv: lin_l (self), lin_r (neighbor mean)
    names = [
        ("Wl1_movie", "Wr1_movie", "b1_movie"),
        ("Wl1_user", "Wr1_user", "b1_user"),
        ("Wl2_movie", "Wr2_movie", "b2_movie"),
        ("Wl2_user", "Wr2_user", "b2_user"),
    ]
    k = 8
    for wl, wr, b in names:
        inp[wl] = _glorot(ks[k], (HID, HID)); k += 1
        inp[wr] = _glorot(ks[k], (HID, HID)); k += 1
        inp[b] = jnp.zeros((HID,), jnp.float32)
    inp["W_cls"] = _glorot(ks[k], (HID, NUM_CLASSES))
    inp["b_cls"] = jnp.zeros((NUM_CLASSES,), jnp.float32)
    return inp


def _sage_conv(x_src, x_dst, ei, Wl, Wr, b):
    msg = jnp.take(x_src, ei[0], axis=0)
    agg = jax.ops.segment_sum(msg, ei[1], num_segments=x_dst.shape[0])
    cnt = jax.ops.segment_sum(jnp.ones((ei.shape[1],), x_src.dtype), ei[1], num_segments=x_dst.shape[0])
    mean = agg / jnp.maximum(cnt, 1.0)[:, None]
    return x_dst @ Wl + mean @ Wr + b


def reference(user_node_id, movie_x, movie_node_id, edge_index_u2m, edge_index_m2u,
              edge_label_index, user_emb, movie_emb, W_movie_lin, b_movie_lin,
              Wl1_movie, Wr1_movie, b1_movie, Wl1_user, Wr1_user, b1_user,
              Wl2_movie, Wr2_movie, b2_movie, Wl2_user, Wr2_user, b2_user,
              W_cls, b_cls):
    x_user = jnp.take(user_emb, user_node_id, axis=0)
    x_movie = movie_x @ W_movie_lin + b_movie_lin + jnp.take(movie_emb, movie_node_id, axis=0)
    # hetero layer 1 (sum aggregation over edge types; each type has one incoming relation)
    u1 = jax.nn.relu(_sage_conv(x_movie, x_user, edge_index_m2u, Wl1_user, Wr1_user, b1_user))
    m1 = jax.nn.relu(_sage_conv(x_user, x_movie, edge_index_u2m, Wl1_movie, Wr1_movie, b1_movie))
    # hetero layer 2
    u2 = _sage_conv(m1, u1, edge_index_m2u, Wl2_user, Wr2_user, b2_user)
    m2 = _sage_conv(u1, m1, edge_index_u2m, Wl2_movie, Wr2_movie, b2_movie)
    # edge classifier on supervision edges
    feat = jnp.take(u2, edge_label_index[0], axis=0) * jnp.take(m2, edge_label_index[1], axis=0)
    pred = feat @ W_cls + b_cls
    return pred

if __name__ == "__main__":
    import jax
    _d = setup_inputs()
    print(jax.jit(kernel)(*tuple(_d.values())))

</pallas_src>

<mosaic_0001>
#map = affine_map<(d0, d1) -> (0, 0)>
#map1 = affine_map<(d0, d1) -> (0, 0, 0, 0)>
#map2 = affine_map<(d0, d1) -> (0, 0, 0)>
module attributes {stable_mosaic.version = 14 : i64} {
  func.func @_seg_body(%arg0: i32, %arg1: i32, %arg2: memref<20000x128xf32, #tpu.memory_space<hbm>>, %arg3: memref<32x158x2x128xi32, #tpu.memory_space<hbm>>, %arg4: memref<640x128xf32, #tpu.memory_space<hbm>>, %arg5: memref<2x10240x128xf32, #tpu.memory_space<hbm>>, %arg6: memref<2x128xi32, #tpu.memory_space<vmem>>, %arg7: memref<2x128xi32, #tpu.memory_space<vmem>>, %arg8: memref<128x128xf32, #tpu.memory_space<vmem>>, %arg9: memref<128x128xf32, #tpu.memory_space<vmem>>, %arg10: memref<10240x128xf32, #tpu.memory_space<vmem_shared>>, %arg11: memref<!tpu.dma_semaphore, #tpu.memory_space<semaphore_mem>>, %arg12: memref<!tpu.dma_semaphore, #tpu.memory_space<semaphore_mem>>, %arg13: memref<!tpu.dma_semaphore, #tpu.memory_space<semaphore_mem>>, %arg14: memref<!tpu.dma_semaphore, #tpu.memory_space<semaphore_mem>>) attributes {dimension_semantics = [#tpu.dimension_semantics<core_parallel>, #tpu.dimension_semantics<subcore_parallel>], iteration_bounds = array<i64: 2, 16>, scalar_prefetch = 0 : i64, scratch_operands = 9 : i64, tpu.core_type = #tpu.core_type<sc_vector_subcore>, window_params = [{transform_indices = #map}, {transform_indices = #map1}, {transform_indices = #map}, {transform_indices = #map2}]} {
    %mul3A = arith.constant 16 : i32
    %mul3A_0 = arith.muli %arg0, %mul3A : i32
    %add3A = arith.addi %mul3A_0, %arg1 : i32
    %mul3A_1 = arith.constant 640 : i32
    %mul3A_2 = arith.muli %arg1, %mul3A_1 : i32
    "tpu.region"() ({
      %run_scoped3A_10 = tpu.sem_alloc : memref<!tpu.dma_semaphore, #tpu.memory_space<semaphore_mem>>
      %dma_start3A = arith.constant 0 : i32
      %dma_start3A_11 = tpu.memref_slice %arg10[%mul3A_2, %dma_start3A] : memref<10240x128xf32, #tpu.memory_space<vmem_shared>> -> memref<640x128xf32, #tpu.memory_space<vmem_shared>>
      tpu.enqueue_dma source(%arg4 : memref<640x128xf32, #tpu.memory_space<hbm>>) target(%dma_start3A_11 : memref<640x128xf32, #tpu.memory_space<vmem_shared>>) target_semaphore(%run_scoped3A_10 : memref<!tpu.dma_semaphore, #tpu.memory_space<semaphore_mem>>)
      %dma_wait3A = arith.constant 0 : i32
      %dma_wait3A_12 = tpu.memref_slice %arg10[%mul3A_2, %dma_wait3A] : memref<10240x128xf32, #tpu.memory_space<vmem_shared>> -> memref<640x128xf32, #tpu.memory_space<vmem_shared>>
      tpu.wait_dma2 semaphore(%run_scoped3A_10 : memref<!tpu.dma_semaphore, #tpu.memory_space<semaphore_mem>>) src(%arg4 : memref<640x128xf32, #tpu.memory_space<hbm>>) dst(%dma_wait3A_12 : memref<640x128xf32, #tpu.memory_space<vmem_shared>>)
      tpu.yield
    }) : () -> ()
    %barrier3A = arith.constant 0 : index
    tpu.barrier barrier_id(%barrier3A)
    %run_scoped3A = arith.constant 0 : i32
    "tpu.region"() ({
      %run_scoped3A_10 = tpu.sem_alloc : memref<!tpu.dma_semaphore, #tpu.memory_space<semaphore_mem>>
      %dma_start3A = arith.constant 0 : i32
      %dma_start3A_11 = arith.constant 0 : i32
      %dma_start3A_12 = tpu.memref_slice %arg3[%add3A, %run_scoped3A, %dma_start3A, %dma_start3A_11] : memref<32x158x2x128xi32, #tpu.memory_space<hbm>> -> memref<1x1x2x128xi32, #tpu.memory_space<hbm>>
      %dma_start3A_13 = tpu.memref_squeeze %dma_start3A_12 : memref<1x1x2x128xi32, #tpu.memory_space<hbm>> -> memref<2x128xi32, #tpu.memory_space<hbm>>
      %dma_start3A_14 = arith.constant 0 : i32
      %dma_start3A_15 = arith.constant 0 : i32
      %dma_start3A_16 = tpu.memref_slice %arg3[%add3A, %run_scoped3A, %dma_start3A_14, %dma_start3A_15] : memref<32x158x2x128xi32, #tpu.memory_space<hbm>> -> memref<1x1x2x128xi32, #tpu.memory_space<hbm>>
      %dma_start3A_17 = tpu.memref_squeeze %dma_start3A_16 : memref<1x1x2x128xi32, #tpu.memory_space<hbm>> -> memref<2x128xi32, #tpu.memory_space<hbm>>
      tpu.enqueue_dma source(%dma_start3A_17 : memref<2x128xi32, #tpu.memory_space<hbm>>) target(%arg6 : memref<2x128xi32, #tpu.memory_space<vmem>>) target_semaphore(%run_scoped3A_10 : memref<!tpu.dma_semaphore, #tpu.memory_space<semaphore_mem>>)
      %dma_wait3A = arith.constant 0 : i32
      %dma_wait3A_18 = arith.constant 0 : i32
      %dma_wait3A_19 = tpu.memref_slice %arg3[%add3A, %run_scoped3A, %dma_wait3A, %dma_wait3A_18] : memref<32x158x2x128xi32, #tpu.memory_space<hbm>> -> memref<1x1x2x128xi32, #tpu.memory_space<hbm>>
      %dma_wait3A_20 = tpu.memref_squeeze %dma_wait3A_19 : memref<1x1x2x128xi32, #tpu.memory_space<hbm>> -> memref<2x128xi32, #tpu.memory_space<hbm>>
      %dma_wait3A_21 = arith.constant 0 : i32
      %dma_wait3A_22 = arith.constant 0 : i32
      %dma_wait3A_23 = tpu.memref_slice %arg3[%add3A, %run_scoped3A, %dma_wait3A_21, %dma_wait3A_22] : memref<32x158x2x128xi32, #tpu.memory_space<hbm>> -> memref<1x1x2x128xi32, #tpu.memory_space<hbm>>
      %dma_wait3A_24 = tpu.memref_squeeze %dma_wait3A_23 : memref<1x1x2x128xi32, #tpu.memory_space<hbm>> -> memref<2x128xi32, #tpu.memory_space<hbm>>
      tpu.wait_dma2 semaphore(%run_scoped3A_10 : memref<!tpu.dma_semaphore, #tpu.memory_space<semaphore_mem>>) src(%dma_wait3A_24 : memref<2x128xi32, #tpu.memory_space<hbm>>) dst(%arg6 : memref<2x128xi32, #tpu.memory_space<vmem>>)
      tpu.yield
    }) : () -> ()
    %scan3A = arith.constant 0 : i32
    %scan3A_3 = arith.constant 0 : i32
    %scan3A_4 = arith.constant 79 : i32
    %scan3A_5 = arith.addi %scan3A_3, %scan3A_4 : i32
    %scan3A_6 = arith.constant 1 : i32
    %scan3A_7 = scf.for %scan3A_10 = %scan3A_3 to %scan3A_5 step %scan3A_6 iter_args(%scan3A_11 = %scan3A) -> (i32)  : i32 {
      %mul3A_12 = arith.constant 2 : i32
      %mul3A_13 = arith.muli %mul3A_12, %scan3A_10 : i32
      %dma_start3A = arith.constant 0 : i32
      %dma_start3A_14 = arith.constant 0 : i32
      %dma_start3A_15 = tpu.memref_slice %arg6[%dma_start3A, %dma_start3A_14] : memref<2x128xi32, #tpu.memory_space<vmem>> -> memref<1x128xi32, #tpu.memory_space<vmem>>
      %dma_start3A_16 = tpu.memref_squeeze %dma_start3A_15 : memref<1x128xi32, #tpu.memory_space<vmem>> -> memref<128xi32, #tpu.memory_space<vmem>>
      %dma_start3A_17 = arith.constant 0 : i32
      %dma_start3A_18 = arith.constant 0 : i32
      %dma_start3A_19 = tpu.memref_slice %arg2[%dma_start3A_17, %dma_start3A_18] : memref<20000x128xf32, #tpu.memory_space<hbm>> -> memref<20000x128xf32, #tpu.memory_space<hbm>>
      tpu.enqueue_indirect_dma source(%dma_start3A_19 : memref<20000x128xf32, #tpu.memory_space<hbm>>) target(%arg8 : memref<128x128xf32, #tpu.memory_space<vmem>>) offsets(%dma_start3A_16 : memref<128xi32, #tpu.memory_space<vmem>>) semaphore(%arg11 : memref<!tpu.dma_semaphore, #tpu.memory_space<semaphore_mem>>)
      %add3A_20 = arith.constant 1 : i32
      %add3A_21 = arith.addi %mul3A_13, %add3A_20 : i32
      %lt3A = arith.constant 158 : i32
      %lt3A_22 = arith.cmpi slt, %add3A_21, %lt3A : i32
      %convert_element_type3A = arith.extui %lt3A_22 : i1 to i32
      %cond3A = arith.constant 0 : i32
      %cond3A_23 = arith.cmpi ne, %convert_element_type3A, %cond3A : i32
      scf.if %cond3A_23 {
        %add3A_72 = arith.constant 1 : i32
        %add3A_73 = arith.addi %mul3A_13, %add3A_72 : i32
        %dma_start3A_74 = arith.constant 0 : i32
        %dma_start3A_75 = arith.constant 0 : i32
        %dma_start3A_76 = tpu.memref_slice %arg3[%add3A, %add3A_73, %dma_start3A_74, %dma_start3A_75] : memref<32x158x2x128xi32, #tpu.memory_space<hbm>> -> memref<1x1x2x128xi32, #tpu.memory_space<hbm>>
        %dma_start3A_77 = tpu.memref_squeeze %dma_start3A_76 : memref<1x1x2x128xi32, #tpu.memory_space<hbm>> -> memref<2x128xi32, #tpu.memory_space<hbm>>
        %dma_start3A_78 = arith.constant 0 : i32
        %dma_start3A_79 = arith.constant 0 : i32
        %dma_start3A_80 = tpu.memref_slice %arg3[%add3A, %add3A_73, %dma_start3A_78, %dma_start3A_79] : memref<32x158x2x128xi32, #tpu.memory_space<hbm>> -> memref<1x1x2x128xi32, #tpu.memory_space<hbm>>
        %dma_start3A_81 = tpu.memref_squeeze %dma_start3A_80 : memref<1x1x2x128xi32, #tpu.memory_space<hbm>> -> memref<2x128xi32, #tpu.memory_space<hbm>>
        tpu.enqueue_dma source(%dma_start3A_81 : memref<2x128xi32, #tpu.memory_space<hbm>>) target(%arg7 : memref<2x128xi32, #tpu.memory_space<vmem>>) target_semaphore(%arg14 : memref<!tpu.dma_semaphore, #tpu.memory_space<semaphore_mem>>)
      } else {
      }
      %dma_wait3A = arith.constant 0 : i32
      %dma_wait3A_24 = arith.constant 0 : i32
      %dma_wait3A_25 = tpu.memref_slice %arg6[%dma_wait3A, %dma_wait3A_24] : memref<2x128xi32, #tpu.memory_space<vmem>> -> memref<1x128xi32, #tpu.memory_space<vmem>>
      %dma_wait3A_26 = tpu.memref_squeeze %dma_wait3A_25 : memref<1x128xi32, #tpu.memory_space<vmem>> -> memref<128xi32, #tpu.memory_space<vmem>>
      %dma_wait3A_27 = arith.constant 0 : i32
      %dma_wait3A_28 = arith.constant 0 : i32
      %dma_wait3A_29 = tpu.memref_slice %arg2[%dma_wait3A_27, %dma_wait3A_28] : memref<20000x128xf32, #tpu.memory_space<hbm>> -> memref<20000x128xf32, #tpu.memory_space<hbm>>
      tpu.wait_indirect_dma semaphore(%arg11 : memref<!tpu.dma_semaphore, #tpu.memory_space<semaphore_mem>>) src(%dma_wait3A_29 : memref<20000x128xf32, #tpu.memory_space<hbm>>) dst(%arg8 : memref<128x128xf32, #tpu.memory_space<vmem>>)
      %run_scoped3A_30 = arith.constant 1 : i32
      "tpu.region"() ({
        %run_scoped3A_72 = tpu.sem_alloc : memref<!tpu.dma_semaphore, #tpu.memory_space<semaphore_mem>>
        %dma_start3A_73 = arith.constant 0 : i32
        %dma_start3A_74 = tpu.memref_slice %arg6[%run_scoped3A_30, %dma_start3A_73] : memref<2x128xi32, #tpu.memory_space<vmem>> -> memref<1x128xi32, #tpu.memory_space<vmem>>
        %dma_start3A_75 = tpu.memref_squeeze %dma_start3A_74 : memref<1x128xi32, #tpu.memory_space<vmem>> -> memref<128xi32, #tpu.memory_space<vmem>>
        %dma_start3A_76 = arith.constant 0 : i32
        %dma_start3A_77 = arith.constant 0 : i32
        %dma_start3A_78 = tpu.memref_slice %arg10[%dma_start3A_76, %dma_start3A_77] : memref<10240x128xf32, #tpu.memory_space<vmem_shared>> -> memref<10240x128xf32, #tpu.memory_space<vmem_shared>>
        tpu.enqueue_indirect_dma source(%arg8 : memref<128x128xf32, #tpu.memory_space<vmem>>) target(%dma_start3A_78 : memref<10240x128xf32, #tpu.memory_space<vmem_shared>>) offsets(%dma_start3A_75 : memref<128xi32, #tpu.memory_space<vmem>>) semaphore(%run_scoped3A_72 : memref<!tpu.dma_semaphore, #tpu.memory_space<semaphore_mem>>) {add = true}
        %dma_wait3A_79 = arith.constant 0 : i32
        %dma_wait3A_80 = tpu.memref_slice %arg6[%run_scoped3A_30, %dma_wait3A_79] : memref<2x128xi32, #tpu.memory_space<vmem>> -> memref<1x128xi32, #tpu.memory_space<vmem>>
        %dma_wait3A_81 = tpu.memref_squeeze %dma_wait3A_80 : memref<1x128xi32, #tpu.memory_space<vmem>> -> memref<128xi32, #tpu.memory_space<vmem>>
        %dma_wait3A_82 = arith.constant 0 : i32
        %dma_wait3A_83 = arith.constant 0 : i32
        %dma_wait3A_84 = tpu.memref_slice %arg10[%dma_wait3A_82, %dma_wait3A_83] : memref<10240x128xf32, #tpu.memory_space<vmem_shared>> -> memref<10240x128xf32, #tpu.memory_space<vmem_shared>>
        tpu.wait_indirect_dma semaphore(%run_scoped3A_72 : memref<!tpu.dma_semaphore, #tpu.memory_space<semaphore_mem>>) src(%arg8 : memref<128x128xf32, #tpu.memory_space<vmem>>) dst(%dma_wait3A_84 : memref<10240x128xf32, #tpu.memory_space<vmem_shared>>)
        tpu.yield
      }) : () -> ()
      %add3A_31 = arith.constant 1 : i32
      %add3A_32 = arith.addi %mul3A_13, %add3A_31 : i32
      %lt3A_33 = arith.constant 158 : i32
      %lt3A_34 = arith.cmpi slt, %add3A_32, %lt3A_33 : i32
      %convert_element_type3A_35 = arith.extui %lt3A_34 : i1 to i32
      %cond3A_36 = arith.constant 0 : i32
      %cond3A_37 = arith.cmpi ne, %convert_element_type3A_35, %cond3A_36 : i32
      scf.if %cond3A_37 {
        %add3A_72 = arith.constant 1 : i32
        %add3A_73 = arith.addi %mul3A_13, %add3A_72 : i32
        %dma_wait3A_74 = arith.constant 0 : i32
        %dma_wait3A_75 = arith.constant 0 : i32
        %dma_wait3A_76 = tpu.memref_slice %arg3[%add3A, %add3A_73, %dma_wait3A_74, %dma_wait3A_75] : memref<32x158x2x128xi32, #tpu.memory_space<hbm>> -> memref<1x1x2x128xi32, #tpu.memory_space<hbm>>
        %dma_wait3A_77 = tpu.memref_squeeze %dma_wait3A_76 : memref<1x1x2x128xi32, #tpu.memory_space<hbm>> -> memref<2x128xi32, #tpu.memory_space<hbm>>
        %dma_wait3A_78 = arith.constant 0 : i32
        %dma_wait3A_79 = arith.constant 0 : i32
        %dma_wait3A_80 = tpu.memref_slice %arg3[%add3A, %add3A_73, %dma_wait3A_78, %dma_wait3A_79] : memref<32x158x2x128xi32, #tpu.memory_space<hbm>> -> memref<1x1x2x128xi32, #tpu.memory_space<hbm>>
        %dma_wait3A_81 = tpu.memref_squeeze %dma_wait3A_80 : memref<1x1x2x128xi32, #tpu.memory_space<hbm>> -> memref<2x128xi32, #tpu.memory_space<hbm>>
        tpu.wait_dma2 semaphore(%arg14 : memref<!tpu.dma_semaphore, #tpu.memory_space<semaphore_mem>>) src(%dma_wait3A_81 : memref<2x128xi32, #tpu.memory_space<hbm>>) dst(%arg7 : memref<2x128xi32, #tpu.memory_space<vmem>>)
      } else {
      }
      %mul3A_38 = arith.constant 2 : i32
      %mul3A_39 = arith.muli %mul3A_38, %scan3A_10 : i32
      %add3A_40 = arith.constant 1 : i32
      %add3A_41 = arith.addi %mul3A_39, %add3A_40 : i32
      %dma_start3A_42 = arith.constant 0 : i32
      %dma_start3A_43 = arith.constant 0 : i32
      %dma_start3A_44 = tpu.memref_slice %arg7[%dma_start3A_42, %dma_start3A_43] : memref<2x128xi32, #tpu.memory_space<vmem>> -> memref<1x128xi32, #tpu.memory_space<vmem>>
      %dma_start3A_45 = tpu.memref_squeeze %dma_start3A_44 : memref<1x128xi32, #tpu.memory_space<vmem>> -> memref<128xi32, #tpu.memory_space<vmem>>
      %dma_start3A_46 = arith.constant 0 : i32
      %dma_start3A_47 = arith.constant 0 : i32
      %dma_start3A_48 = tpu.memref_slice %arg2[%dma_start3A_46, %dma_start3A_47] : memref<20000x128xf32, #tpu.memory_space<hbm>> -> memref<20000x128xf32, #tpu.memory_space<hbm>>
      tpu.enqueue_indirect_dma source(%dma_start3A_48 : memref<20000x128xf32, #tpu.memory_space<hbm>>) target(%arg9 : memref<128x128xf32, #tpu.memory_space<vmem>>) offsets(%dma_start3A_45 : memref<128xi32, #tpu.memory_space<vmem>>) semaphore(%arg12 : memref<!tpu.dma_semaphore, #tpu.memory_space<semaphore_mem>>)
      %add3A_49 = arith.constant 1 : i32
      %add3A_50 = arith.addi %add3A_41, %add3A_49 : i32
      %lt3A_51 = arith.constant 158 : i32
      %lt3A_52 = arith.cmpi slt, %add3A_50, %lt3A_51 : i32
      %convert_element_type3A_53 = arith.extui %lt3A_52 : i1 to i32
      %cond3A_54 = arith.constant 0 : i32
      %cond3A_55 = arith.cmpi ne, %convert_element_type3A_53, %cond3A_54 : i32
      scf.if %cond3A_55 {
        %add3A_72 = arith.constant 1 : i32
        %add3A_73 = arith.addi %add3A_41, %add3A_72 : i32
        %dma_start3A_74 = arith.constant 0 : i32
        %dma_start3A_75 = arith.constant 0 : i32
        %dma_start3A_76 = tpu.memref_slice %arg3[%add3A, %add3A_73, %dma_start3A_74, %dma_start3A_75] : memref<32x158x2x128xi32, #tpu.memory_space<hbm>> -> memref<1x1x2x128xi32, #tpu.memory_space<hbm>>
        %dma_start3A_77 = tpu.memref_squeeze %dma_start3A_76 : memref<1x1x2x128xi32, #tpu.memory_space<hbm>> -> memref<2x128xi32, #tpu.memory_space<hbm>>
        %dma_start3A_78 = arith.constant 0 : i32
        %dma_start3A_79 = arith.constant 0 : i32
        %dma_start3A_80 = tpu.memref_slice %arg3[%add3A, %add3A_73, %dma_start3A_78, %dma_start3A_79] : memref<32x158x2x128xi32, #tpu.memory_space<hbm>> -> memref<1x1x2x128xi32, #tpu.memory_space<hbm>>
        %dma_start3A_81 = tpu.memref_squeeze %dma_start3A_80 : memref<1x1x2x128xi32, #tpu.memory_space<hbm>> -> memref<2x128xi32, #tpu.memory_space<hbm>>
        tpu.enqueue_dma source(%dma_start3A_81 : memref<2x128xi32, #tpu.memory_space<hbm>>) target(%arg6 : memref<2x128xi32, #tpu.memory_space<vmem>>) target_semaphore(%arg13 : memref<!tpu.dma_semaphore, #tpu.memory_space<semaphore_mem>>)
      } else {
      }
      %dma_wait3A_56 = arith.constant 0 : i32
      %dma_wait3A_57 = arith.constant 0 : i32
      %dma_wait3A_58 = tpu.memref_slice %arg7[%dma_wait3A_56, %dma_wait3A_57] : memref<2x128xi32, #tpu.memory_space<vmem>> -> memref<1x128xi32, #tpu.memory_space<vmem>>
      %dma_wait3A_59 = tpu.memref_squeeze %dma_wait3A_58 : memref<1x128xi32, #tpu.memory_space<vmem>> -> memref<128xi32, #tpu.memory_space<vmem>>
      %dma_wait3A_60 = arith.constant 0 : i32
      %dma_wait3A_61 = arith.constant 0 : i32
      %dma_wait3A_62 = tpu.memref_slice %arg2[%dma_wait3A_60, %dma_wait3A_61] : memref<20000x128xf32, #tpu.memory_space<hbm>> -> memref<20000x128xf32, #tpu.memory_space<hbm>>
      tpu.wait_indirect_dma semaphore(%arg12 : memref<!tpu.dma_semaphore, #tpu.memory_space<semaphore_mem>>) src(%dma_wait3A_62 : memref<20000x128xf32, #tpu.memory_space<hbm>>) dst(%arg9 : memref<128x128xf32, #tpu.memory_space<vmem>>)
      %run_scoped3A_63 = arith.constant 1 : i32
      "tpu.region"() ({
        %run_scoped3A_72 = tpu.sem_alloc : memref<!tpu.dma_semaphore, #tpu.memory_space<semaphore_mem>>
        %dma_start3A_73 = arith.constant 0 : i32
        %dma_start3A_74 = tpu.memref_slice %arg7[%run_scoped3A_63, %dma_start3A_73] : memref<2x128xi32, #tpu.memory_space<vmem>> -> memref<1x128xi32, #tpu.memory_space<vmem>>
        %dma_start3A_75 = tpu.memref_squeeze %dma_start3A_74 : memref<1x128xi32, #tpu.memory_space<vmem>> -> memref<128xi32, #tpu.memory_space<vmem>>
        %dma_start3A_76 = arith.constant 0 : i32
        %dma_start3A_77 = arith.constant 0 : i32
        %dma_start3A_78 = tpu.memref_slice %arg10[%dma_start3A_76, %dma_start3A_77] : memref<10240x128xf32, #tpu.memory_space<vmem_shared>> -> memref<10240x128xf32, #tpu.memory_space<vmem_shared>>
        tpu.enqueue_indirect_dma source(%arg9 : memref<128x128xf32, #tpu.memory_space<vmem>>) target(%dma_start3A_78 : memref<10240x128xf32, #tpu.memory_space<vmem_shared>>) offsets(%dma_start3A_75 : memref<128xi32, #tpu.memory_space<vmem>>) semaphore(%run_scoped3A_72 : memref<!tpu.dma_semaphore, #tpu.memory_space<semaphore_mem>>) {add = true}
        %dma_wait3A_79 = arith.constant 0 : i32
        %dma_wait3A_80 = tpu.memref_slice %arg7[%run_scoped3A_63, %dma_wait3A_79] : memref<2x128xi32, #tpu.memory_space<vmem>> -> memref<1x128xi32, #tpu.memory_space<vmem>>
        %dma_wait3A_81 = tpu.memref_squeeze %dma_wait3A_80 : memref<1x128xi32, #tpu.memory_space<vmem>> -> memref<128xi32, #tpu.memory_space<vmem>>
        %dma_wait3A_82 = arith.constant 0 : i32
        %dma_wait3A_83 = arith.constant 0 : i32
        %dma_wait3A_84 = tpu.memref_slice %arg10[%dma_wait3A_82, %dma_wait3A_83] : memref<10240x128xf32, #tpu.memory_space<vmem_shared>> -> memref<10240x128xf32, #tpu.memory_space<vmem_shared>>
        tpu.wait_indirect_dma semaphore(%run_scoped3A_72 : memref<!tpu.dma_semaphore, #tpu.memory_space<semaphore_mem>>) src(%arg9 : memref<128x128xf32, #tpu.memory_space<vmem>>) dst(%dma_wait3A_84 : memref<10240x128xf32, #tpu.memory_space<vmem_shared>>)
        tpu.yield
      }) : () -> ()
      %add3A_64 = arith.constant 1 : i32
      %add3A_65 = arith.addi %add3A_41, %add3A_64 : i32
      %lt3A_66 = arith.constant 158 : i32
      %lt3A_67 = arith.cmpi slt, %add3A_65, %lt3A_66 : i32
      %convert_element_type3A_68 = arith.extui %lt3A_67 : i1 to i32
      %cond3A_69 = arith.constant 0 : i32
      %cond3A_70 = arith.cmpi ne, %convert_element_type3A_68, %cond3A_69 : i32
      scf.if %cond3A_70 {
        %add3A_72 = arith.constant 1 : i32
        %add3A_73 = arith.addi %add3A_41, %add3A_72 : i32
        %dma_wait3A_74 = arith.constant 0 : i32
        %dma_wait3A_75 = arith.constant 0 : i32
        %dma_wait3A_76 = tpu.memref_slice %arg3[%add3A, %add3A_73, %dma_wait3A_74, %dma_wait3A_75] : memref<32x158x2x128xi32, #tpu.memory_space<hbm>> -> memref<1x1x2x128xi32, #tpu.memory_space<hbm>>
        %dma_wait3A_77 = tpu.memref_squeeze %dma_wait3A_76 : memref<1x1x2x128xi32, #tpu.memory_space<hbm>> -> memref<2x128xi32, #tpu.memory_space<hbm>>
        %dma_wait3A_78 = arith.constant 0 : i32
        %dma_wait3A_79 = arith.constant 0 : i32
        %dma_wait3A_80 = tpu.memref_slice %arg3[%add3A, %add3A_73, %dma_wait3A_78, %dma_wait3A_79] : memref<32x158x2x128xi32, #tpu.memory_space<hbm>> -> memref<1x1x2x128xi32, #tpu.memory_space<hbm>>
        %dma_wait3A_81 = tpu.memref_squeeze %dma_wait3A_80 : memref<1x1x2x128xi32, #tpu.memory_space<hbm>> -> memref<2x128xi32, #tpu.memory_space<hbm>>
        tpu.wait_dma2 semaphore(%arg13 : memref<!tpu.dma_semaphore, #tpu.memory_space<semaphore_mem>>) src(%dma_wait3A_81 : memref<2x128xi32, #tpu.memory_space<hbm>>) dst(%arg6 : memref<2x128xi32, #tpu.memory_space<vmem>>)
      } else {
      }
      %scan3A_71 = arith.constant 0 : i32
      scf.yield %scan3A_71 : i32
    }
    %scan3A_8 = arith.constant 79 : i32
    %barrier3A_9 = arith.constant 0 : index
    tpu.barrier barrier_id(%barrier3A_9)
    "tpu.region"() ({
      %run_scoped3A_10 = tpu.sem_alloc : memref<!tpu.dma_semaphore, #tpu.memory_space<semaphore_mem>>
      %dma_start3A = arith.constant 0 : i32
      %dma_start3A_11 = tpu.memref_slice %arg5[%arg0, %mul3A_2, %dma_start3A] : memref<2x10240x128xf32, #tpu.memory_space<hbm>> -> memref<1x640x128xf32, #tpu.memory_space<hbm>>
      %dma_start3A_12 = tpu.memref_squeeze %dma_start3A_11 : memref<1x640x128xf32, #tpu.memory_space<hbm>> -> memref<640x128xf32, #tpu.memory_space<hbm>>
      %dma_start3A_13 = arith.constant 0 : i32
      %dma_start3A_14 = tpu.memref_slice %arg10[%mul3A_2, %dma_start3A_13] : memref<10240x128xf32, #tpu.memory_space<vmem_shared>> -> memref<640x128xf32, #tpu.memory_space<vmem_shared>>
      tpu.enqueue_dma source(%dma_start3A_14 : memref<640x128xf32, #tpu.memory_space<vmem_shared>>) target(%dma_start3A_12 : memref<640x128xf32, #tpu.memory_space<hbm>>) target_semaphore(%run_scoped3A_10 : memref<!tpu.dma_semaphore, #tpu.memory_space<semaphore_mem>>)
      %dma_wait3A = arith.constant 0 : i32
      %dma_wait3A_15 = tpu.memref_slice %arg5[%arg0, %mul3A_2, %dma_wait3A] : memref<2x10240x128xf32, #tpu.memory_space<hbm>> -> memref<1x640x128xf32, #tpu.memory_space<hbm>>
      %dma_wait3A_16 = tpu.memref_squeeze %dma_wait3A_15 : memref<1x640x128xf32, #tpu.memory_space<hbm>> -> memref<640x128xf32, #tpu.memory_space<hbm>>
      %dma_wait3A_17 = arith.constant 0 : i32
      %dma_wait3A_18 = tpu.memref_slice %arg10[%mul3A_2, %dma_wait3A_17] : memref<10240x128xf32, #tpu.memory_space<vmem_shared>> -> memref<640x128xf32, #tpu.memory_space<vmem_shared>>
      tpu.wait_dma2 semaphore(%run_scoped3A_10 : memref<!tpu.dma_semaphore, #tpu.memory_space<semaphore_mem>>) src(%dma_wait3A_18 : memref<640x128xf32, #tpu.memory_space<vmem_shared>>) dst(%dma_wait3A_16 : memref<640x128xf32, #tpu.memory_space<hbm>>)
      tpu.yield
    }) : () -> ()
    return
  }
}

#map = affine_map<(d0, d1) -> (0, 0, 0, 0)>
#map1 = affine_map<(d0, d1) -> (0, 0)>
#map2 = affine_map<(d0, d1) -> (0, 0, 0)>
module attributes {stable_mosaic.version = 14 : i64} {
  func.func @_cnt_body(%arg0: i32, %arg1: i32, %arg2: memref<32x158x2x128xi32, #tpu.memory_space<hbm>>, %arg3: memref<128x128xf32, #tpu.memory_space<hbm>>, %arg4: memref<640x128xf32, #tpu.memory_space<hbm>>, %arg5: memref<2x10240x128xf32, #tpu.memory_space<hbm>>, %arg6: memref<2x128xi32, #tpu.memory_space<vmem>>, %arg7: memref<2x128xi32, #tpu.memory_space<vmem>>, %arg8: memref<128x128xf32, #tpu.memory_space<vmem>>, %arg9: memref<10240x128xf32, #tpu.memory_space<vmem_shared>>, %arg10: memref<!tpu.dma_semaphore, #tpu.memory_space<semaphore_mem>>, %arg11: memref<!tpu.dma_semaphore, #tpu.memory_space<semaphore_mem>>) attributes {dimension_semantics = [#tpu.dimension_semantics<core_parallel>, #tpu.dimension_semantics<subcore_parallel>], iteration_bounds = array<i64: 2, 16>, scalar_prefetch = 0 : i64, scratch_operands = 6 : i64, tpu.core_type = #tpu.core_type<sc_vector_subcore>, window_params = [{transform_indices = #map}, {transform_indices = #map1}, {transform_indices = #map1}, {transform_indices = #map2}]} {
    %mul3A = arith.constant 16 : i32
    %mul3A_0 = arith.muli %arg0, %mul3A : i32
    %add3A = arith.addi %mul3A_0, %arg1 : i32
    %mul3A_1 = arith.constant 640 : i32
    %mul3A_2 = arith.muli %arg1, %mul3A_1 : i32
    "tpu.region"() ({
      %run_scoped3A = tpu.sem_alloc : memref<!tpu.dma_semaphore, #tpu.memory_space<semaphore_mem>>
      %dma_start3A = arith.constant 0 : i32
      %dma_start3A_10 = tpu.memref_slice %arg9[%mul3A_2, %dma_start3A] : memref<10240x128xf32, #tpu.memory_space<vmem_shared>> -> memref<640x128xf32, #tpu.memory_space<vmem_shared>>
      tpu.enqueue_dma source(%arg4 : memref<640x128xf32, #tpu.memory_space<hbm>>) target(%dma_start3A_10 : memref<640x128xf32, #tpu.memory_space<vmem_shared>>) target_semaphore(%run_scoped3A : memref<!tpu.dma_semaphore, #tpu.memory_space<semaphore_mem>>)
      %dma_wait3A = arith.constant 0 : i32
      %dma_wait3A_11 = tpu.memref_slice %arg9[%mul3A_2, %dma_wait3A] : memref<10240x128xf32, #tpu.memory_space<vmem_shared>> -> memref<640x128xf32, #tpu.memory_space<vmem_shared>>
      tpu.wait_dma2 semaphore(%run_scoped3A : memref<!tpu.dma_semaphore, #tpu.memory_space<semaphore_mem>>) src(%arg4 : memref<640x128xf32, #tpu.memory_space<hbm>>) dst(%dma_wait3A_11 : memref<640x128xf32, #tpu.memory_space<vmem_shared>>)
      tpu.yield
    }) : () -> ()
    "tpu.region"() ({
      %run_scoped3A = tpu.sem_alloc : memref<!tpu.dma_semaphore, #tpu.memory_space<semaphore_mem>>
      tpu.enqueue_dma source(%arg3 : memref<128x128xf32, #tpu.memory_space<hbm>>) target(%arg8 : memref<128x128xf32, #tpu.memory_space<vmem>>) target_semaphore(%run_scoped3A : memref<!tpu.dma_semaphore, #tpu.memory_space<semaphore_mem>>)
      tpu.wait_dma2 semaphore(%run_scoped3A : memref<!tpu.dma_semaphore, #tpu.memory_space<semaphore_mem>>) src(%arg3 : memref<128x128xf32, #tpu.memory_space<hbm>>) dst(%arg8 : memref<128x128xf32, #tpu.memory_space<vmem>>)
      tpu.yield
    }) : () -> ()
    %barrier3A = arith.constant 0 : index
    tpu.barrier barrier_id(%barrier3A)
    %scan3A = arith.constant 0 : i32
    %scan3A_3 = arith.constant 0 : i32
    %scan3A_4 = arith.constant 79 : i32
    %scan3A_5 = arith.addi %scan3A_3, %scan3A_4 : i32
    %scan3A_6 = arith.constant 1 : i32
    %scan3A_7 = scf.for %scan3A_10 = %scan3A_3 to %scan3A_5 step %scan3A_6 iter_args(%scan3A_11 = %scan3A) -> (i32)  : i32 {
      %mul3A_12 = arith.constant 2 : i32
      %mul3A_13 = arith.muli %mul3A_12, %scan3A_10 : i32
      %ge3A = arith.constant 2 : i32
      %ge3A_14 = arith.cmpi sge, %mul3A_13, %ge3A : i32
      %convert_element_type3A = arith.extui %ge3A_14 : i1 to i32
      %cond3A = arith.constant 0 : i32
      %cond3A_15 = arith.cmpi ne, %convert_element_type3A, %cond3A : i32
      scf.if %cond3A_15 {
        tpu.wait_dma2 semaphore(%arg10 : memref<!tpu.dma_semaphore, #tpu.memory_space<semaphore_mem>>) src(%arg3 : memref<128x128xf32, #tpu.memory_space<hbm>>) dst(%arg8 : memref<128x128xf32, #tpu.memory_space<vmem>>)
      } else {
      }
      "tpu.region"() ({
        %run_scoped3A = tpu.sem_alloc : memref<!tpu.dma_semaphore, #tpu.memory_space<semaphore_mem>>
        %dma_start3A_39 = arith.constant 0 : i32
        %dma_start3A_40 = arith.constant 0 : i32
        %dma_start3A_41 = tpu.memref_slice %arg2[%add3A, %mul3A_13, %dma_start3A_39, %dma_start3A_40] : memref<32x158x2x128xi32, #tpu.memory_space<hbm>> -> memref<1x1x2x128xi32, #tpu.memory_space<hbm>>
        %dma_start3A_42 = tpu.memref_squeeze %dma_start3A_41 : memref<1x1x2x128xi32, #tpu.memory_space<hbm>> -> memref<2x128xi32, #tpu.memory_space<hbm>>
        %dma_start3A_43 = arith.constant 0 : i32
        %dma_start3A_44 = arith.constant 0 : i32
        %dma_start3A_45 = tpu.memref_slice %arg2[%add3A, %mul3A_13, %dma_start3A_43, %dma_start3A_44] : memref<32x158x2x128xi32, #tpu.memory_space<hbm>> -> memref<1x1x2x128xi32, #tpu.memory_space<hbm>>
        %dma_start3A_46 = tpu.memref_squeeze %dma_start3A_45 : memref<1x1x2x128xi32, #tpu.memory_space<hbm>> -> memref<2x128xi32, #tpu.memory_space<hbm>>
        tpu.enqueue_dma source(%dma_start3A_46 : memref<2x128xi32, #tpu.memory_space<hbm>>) target(%arg6 : memref<2x128xi32, #tpu.memory_space<vmem>>) target_semaphore(%run_scoped3A : memref<!tpu.dma_semaphore, #tpu.memory_space<semaphore_mem>>)
        %dma_wait3A = arith.constant 0 : i32
        %dma_wait3A_47 = arith.constant 0 : i32
        %dma_wait3A_48 = tpu.memref_slice %arg2[%add3A, %mul3A_13, %dma_wait3A, %dma_wait3A_47] : memref<32x158x2x128xi32, #tpu.memory_space<hbm>> -> memref<1x1x2x128xi32, #tpu.memory_space<hbm>>
        %dma_wait3A_49 = tpu.memref_squeeze %dma_wait3A_48 : memref<1x1x2x128xi32, #tpu.memory_space<hbm>> -> memref<2x128xi32, #tpu.memory_space<hbm>>
        %dma_wait3A_50 = arith.constant 0 : i32
        %dma_wait3A_51 = arith.constant 0 : i32
        %dma_wait3A_52 = tpu.memref_slice %arg2[%add3A, %mul3A_13, %dma_wait3A_50, %dma_wait3A_51] : memref<32x158x2x128xi32, #tpu.memory_space<hbm>> -> memref<1x1x2x128xi32, #tpu.memory_space<hbm>>
        %dma_wait3A_53 = tpu.memref_squeeze %dma_wait3A_52 : memref<1x1x2x128xi32, #tpu.memory_space<hbm>> -> memref<2x128xi32, #tpu.memory_space<hbm>>
        tpu.wait_dma2 semaphore(%run_scoped3A : memref<!tpu.dma_semaphore, #tpu.memory_space<semaphore_mem>>) src(%dma_wait3A_53 : memref<2x128xi32, #tpu.memory_space<hbm>>) dst(%arg6 : memref<2x128xi32, #tpu.memory_space<vmem>>)
        tpu.yield
      }) : () -> ()
      %dma_start3A = arith.constant 1 : i32
      %dma_start3A_16 = arith.constant 0 : i32
      %dma_start3A_17 = tpu.memref_slice %arg6[%dma_start3A, %dma_start3A_16] : memref<2x128xi32, #tpu.memory_space<vmem>> -> memref<1x128xi32, #tpu.memory_space<vmem>>
      %dma_start3A_18 = tpu.memref_squeeze %dma_start3A_17 : memref<1x128xi32, #tpu.memory_space<vmem>> -> memref<128xi32, #tpu.memory_space<vmem>>
      %dma_start3A_19 = arith.constant 0 : i32
      %dma_start3A_20 = arith.constant 0 : i32
      %dma_start3A_21 = tpu.memref_slice %arg9[%dma_start3A_19, %dma_start3A_20] : memref<10240x128xf32, #tpu.memory_space<vmem_shared>> -> memref<10240x128xf32, #tpu.memory_space<vmem_shared>>
      tpu.enqueue_indirect_dma source(%arg8 : memref<128x128xf32, #tpu.memory_space<vmem>>) target(%dma_start3A_21 : memref<10240x128xf32, #tpu.memory_space<vmem_shared>>) offsets(%dma_start3A_18 : memref<128xi32, #tpu.memory_space<vmem>>) semaphore(%arg10 : memref<!tpu.dma_semaphore, #tpu.memory_space<semaphore_mem>>) {add = true}
      %mul3A_22 = arith.constant 2 : i32
      %mul3A_23 = arith.muli %mul3A_22, %scan3A_10 : i32
      %add3A_24 = arith.constant 1 : i32
      %add3A_25 = arith.addi %mul3A_23, %add3A_24 : i32
      %ge3A_26 = arith.constant 2 : i32
      %ge3A_27 = arith.cmpi sge, %add3A_25, %ge3A_26 : i32
      %convert_element_type3A_28 = arith.extui %ge3A_27 : i1 to i32
      %cond3A_29 = arith.constant 0 : i32
      %cond3A_30 = arith.cmpi ne, %convert_element_type3A_28, %cond3A_29 : i32
      scf.if %cond3A_30 {
        tpu.wait_dma2 semaphore(%arg11 : memref<!tpu.dma_semaphore, #tpu.memory_space<semaphore_mem>>) src(%arg3 : memref<128x128xf32, #tpu.memory_space<hbm>>) dst(%arg8 : memref<128x128xf32, #tpu.memory_space<vmem>>)
      } else {
      }
      "tpu.region"() ({
        %run_scoped3A = tpu.sem_alloc : memref<!tpu.dma_semaphore, #tpu.memory_space<semaphore_mem>>
        %dma_start3A_39 = arith.constant 0 : i32
        %dma_start3A_40 = arith.constant 0 : i32
        %dma_start3A_41 = tpu.memref_slice %arg2[%add3A, %add3A_25, %dma_start3A_39, %dma_start3A_40] : memref<32x158x2x128xi32, #tpu.memory_space<hbm>> -> memref<1x1x2x128xi32, #tpu.memory_space<hbm>>
        %dma_start3A_42 = tpu.memref_squeeze %dma_start3A_41 : memref<1x1x2x128xi32, #tpu.memory_space<hbm>> -> memref<2x128xi32, #tpu.memory_space<hbm>>
        %dma_start3A_43 = arith.constant 0 : i32
        %dma_start3A_44 = arith.constant 0 : i32
        %dma_start3A_45 = tpu.memref_slice %arg2[%add3A, %add3A_25, %dma_start3A_43, %dma_start3A_44] : memref<32x158x2x128xi32, #tpu.memory_space<hbm>> -> memref<1x1x2x128xi32, #tpu.memory_space<hbm>>
        %dma_start3A_46 = tpu.memref_squeeze %dma_start3A_45 : memref<1x1x2x128xi32, #tpu.memory_space<hbm>> -> memref<2x128xi32, #tpu.memory_space<hbm>>
        tpu.enqueue_dma source(%dma_start3A_46 : memref<2x128xi32, #tpu.memory_space<hbm>>) target(%arg7 : memref<2x128xi32, #tpu.memory_space<vmem>>) target_semaphore(%run_scoped3A : memref<!tpu.dma_semaphore, #tpu.memory_space<semaphore_mem>>)
        %dma_wait3A = arith.constant 0 : i32
        %dma_wait3A_47 = arith.constant 0 : i32
        %dma_wait3A_48 = tpu.memref_slice %arg2[%add3A, %add3A_25, %dma_wait3A, %dma_wait3A_47] : memref<32x158x2x128xi32, #tpu.memory_space<hbm>> -> memref<1x1x2x128xi32, #tpu.memory_space<hbm>>
        %dma_wait3A_49 = tpu.memref_squeeze %dma_wait3A_48 : memref<1x1x2x128xi32, #tpu.memory_space<hbm>> -> memref<2x128xi32, #tpu.memory_space<hbm>>
        %dma_wait3A_50 = arith.constant 0 : i32
        %dma_wait3A_51 = arith.constant 0 : i32
        %dma_wait3A_52 = tpu.memref_slice %arg2[%add3A, %add3A_25, %dma_wait3A_50, %dma_wait3A_51] : memref<32x158x2x128xi32, #tpu.memory_space<hbm>> -> memref<1x1x2x128xi32, #tpu.memory_space<hbm>>
        %dma_wait3A_53 = tpu.memref_squeeze %dma_wait3A_52 : memref<1x1x2x128xi32, #tpu.memory_space<hbm>> -> memref<2x128xi32, #tpu.memory_space<hbm>>
        tpu.wait_dma2 semaphore(%run_scoped3A : memref<!tpu.dma_semaphore, #tpu.memory_space<semaphore_mem>>) src(%dma_wait3A_53 : memref<2x128xi32, #tpu.memory_space<hbm>>) dst(%arg7 : memref<2x128xi32, #tpu.memory_space<vmem>>)
        tpu.yield
      }) : () -> ()
      %dma_start3A_31 = arith.constant 1 : i32
      %dma_start3A_32 = arith.constant 0 : i32
      %dma_start3A_33 = tpu.memref_slice %arg7[%dma_start3A_31, %dma_start3A_32] : memref<2x128xi32, #tpu.memory_space<vmem>> -> memref<1x128xi32, #tpu.memory_space<vmem>>
      %dma_start3A_34 = tpu.memref_squeeze %dma_start3A_33 : memref<1x128xi32, #tpu.memory_space<vmem>> -> memref<128xi32, #tpu.memory_space<vmem>>
      %dma_start3A_35 = arith.constant 0 : i32
      %dma_start3A_36 = arith.constant 0 : i32
      %dma_start3A_37 = tpu.memref_slice %arg9[%dma_start3A_35, %dma_start3A_36] : memref<10240x128xf32, #tpu.memory_space<vmem_shared>> -> memref<10240x128xf32, #tpu.memory_space<vmem_shared>>
      tpu.enqueue_indirect_dma source(%arg8 : memref<128x128xf32, #tpu.memory_space<vmem>>) target(%dma_start3A_37 : memref<10240x128xf32, #tpu.memory_space<vmem_shared>>) offsets(%dma_start3A_34 : memref<128xi32, #tpu.memory_space<vmem>>) semaphore(%arg11 : memref<!tpu.dma_semaphore, #tpu.memory_space<semaphore_mem>>) {add = true}
      %scan3A_38 = arith.constant 0 : i32
      scf.yield %scan3A_38 : i32
    }
    %scan3A_8 = arith.constant 79 : i32
    tpu.wait_dma2 semaphore(%arg10 : memref<!tpu.dma_semaphore, #tpu.memory_space<semaphore_mem>>) src(%arg3 : memref<128x128xf32, #tpu.memory_space<hbm>>) dst(%arg8 : memref<128x128xf32, #tpu.memory_space<vmem>>)
    tpu.wait_dma2 semaphore(%arg11 : memref<!tpu.dma_semaphore, #tpu.memory_space<semaphore_mem>>) src(%arg3 : memref<128x128xf32, #tpu.memory_space<hbm>>) dst(%arg8 : memref<128x128xf32, #tpu.memory_space<vmem>>)
    %barrier3A_9 = arith.constant 0 : index
    tpu.barrier barrier_id(%barrier3A_9)
    "tpu.region"() ({
      %run_scoped3A = tpu.sem_alloc : memref<!tpu.dma_semaphore, #tpu.memory_space<semaphore_mem>>
      %dma_start3A = arith.constant 0 : i32
      %dma_start3A_10 = tpu.memref_slice %arg5[%arg0, %mul3A_2, %dma_start3A] : memref<2x10240x128xf32, #tpu.memory_space<hbm>> -> memref<1x640x128xf32, #tpu.memory_space<hbm>>
      %dma_start3A_11 = tpu.memref_squeeze %dma_start3A_10 : memref<1x640x128xf32, #tpu.memory_space<hbm>> -> memref<640x128xf32, #tpu.memory_space<hbm>>
      %dma_start3A_12 = arith.constant 0 : i32
      %dma_start3A_13 = tpu.memref_slice %arg9[%mul3A_2, %dma_start3A_12] : memref<10240x128xf32, #tpu.memory_space<vmem_shared>> -> memref<640x128xf32, #tpu.memory_space<vmem_shared>>
      tpu.enqueue_dma source(%dma_start3A_13 : memref<640x128xf32, #tpu.memory_space<vmem_shared>>) target(%dma_start3A_11 : memref<640x128xf32, #tpu.memory_space<hbm>>) target_semaphore(%run_scoped3A : memref<!tpu.dma_semaphore, #tpu.memory_space<semaphore_mem>>)
      %dma_wait3A = arith.constant 0 : i32
      %dma_wait3A_14 = tpu.memref_slice %arg5[%arg0, %mul3A_2, %dma_wait3A] : memref<2x10240x128xf32, #tpu.memory_space<hbm>> -> memref<1x640x128xf32, #tpu.memory_space<hbm>>
      %dma_wait3A_15 = tpu.memref_squeeze %dma_wait3A_14 : memref<1x640x128xf32, #tpu.memory_space<hbm>> -> memref<640x128xf32, #tpu.memory_space<hbm>>
      %dma_wait3A_16 = arith.constant 0 : i32
      %dma_wait3A_17 = tpu.memref_slice %arg9[%mul3A_2, %dma_wait3A_16] : memref<10240x128xf32, #tpu.memory_space<vmem_shared>> -> memref<640x128xf32, #tpu.memory_space<vmem_shared>>
      tpu.wait_dma2 semaphore(%run_scoped3A : memref<!tpu.dma_semaphore, #tpu.memory_space<semaphore_mem>>) src(%dma_wait3A_17 : memref<640x128xf32, #tpu.memory_space<vmem_shared>>) dst(%dma_wait3A_15 : memref<640x128xf32, #tpu.memory_space<hbm>>)
      tpu.yield
    }) : () -> ()
    return
  }
}

#map = affine_map<(d0, d1) -> (0, 0)>
#map1 = affine_map<(d0, d1) -> (0)>
module attributes {stable_mosaic.version = 14 : i64} {
  func.func @_cls_body(%arg0: i32, %arg1: i32, %arg2: memref<20000x128xf32, #tpu.memory_space<hbm>>, %arg3: memref<53248xi32, #tpu.memory_space<hbm>>, %arg4: memref<53248xi32, #tpu.memory_space<hbm>>, %arg5: memref<53248x128xf32, #tpu.memory_space<hbm>>, %arg6: memref<53248x128xf32, #tpu.memory_space<hbm>>, %arg7: memref<128xi32, #tpu.memory_space<vmem>>, %arg8: memref<128xi32, #tpu.memory_space<vmem>>, %arg9: memref<128x128xf32, #tpu.memory_space<vmem>>, %arg10: memref<128x128xf32, #tpu.memory_space<vmem>>, %arg11: memref<!tpu.dma_semaphore, #tpu.memory_space<semaphore_mem>>, %arg12: memref<!tpu.dma_semaphore, #tpu.memory_space<semaphore_mem>>) attributes {dimension_semantics = [#tpu.dimension_semantics<core_parallel>, #tpu.dimension_semantics<subcore_parallel>], iteration_bounds = array<i64: 2, 16>, scalar_prefetch = 0 : i64, scratch_operands = 6 : i64, tpu.core_type = #tpu.core_type<sc_vector_subcore>, window_params = [{transform_indices = #map}, {transform_indices = #map1}, {transform_indices = #map1}, {transform_indices = #map}, {transform_indices = #map}]} {
    %mul3A = arith.constant 16 : i32
    %mul3A_0 = arith.muli %arg0, %mul3A : i32
    %add3A = arith.addi %mul3A_0, %arg1 : i32
    %mul3A_1 = arith.constant 13 : i32
    %mul3A_2 = arith.muli %add3A, %mul3A_1 : i32
    %mul3A_3 = arith.constant 128 : i32
    %mul3A_4 = arith.muli %mul3A_2, %mul3A_3 : i32
    %scan3A = arith.constant 0 : i32
    %scan3A_5 = arith.constant 0 : i32
    %scan3A_6 = arith.constant 13 : i32
    %scan3A_7 = arith.addi %scan3A_5, %scan3A_6 : i32
    %scan3A_8 = arith.constant 1 : i32
    %scan3A_9 = scf.for %scan3A_11 = %scan3A_5 to %scan3A_7 step %scan3A_8 iter_args(%scan3A_12 = %scan3A) -> (i32)  : i32 {
      %mul3A_13 = arith.constant 128 : i32
      %mul3A_14 = arith.muli %scan3A_11, %mul3A_13 : i32
      %add3A_15 = arith.addi %mul3A_4, %mul3A_14 : i32
      "tpu.region"() ({
        %run_scoped3A = tpu.sem_alloc : memref<!tpu.dma_semaphore, #tpu.memory_space<semaphore_mem>>
        %dma_start3A_27 = tpu.memref_slice %arg3[%add3A_15] : memref<53248xi32, #tpu.memory_space<hbm>> -> memref<128xi32, #tpu.memory_space<hbm>>
        %dma_start3A_28 = tpu.memref_slice %arg3[%add3A_15] : memref<53248xi32, #tpu.memory_space<hbm>> -> memref<128xi32, #tpu.memory_space<hbm>>
        tpu.enqueue_dma source(%dma_start3A_28 : memref<128xi32, #tpu.memory_space<hbm>>) target(%arg7 : memref<128xi32, #tpu.memory_space<vmem>>) target_semaphore(%run_scoped3A : memref<!tpu.dma_semaphore, #tpu.memory_space<semaphore_mem>>)
        %dma_wait3A_29 = tpu.memref_slice %arg3[%add3A_15] : memref<53248xi32, #tpu.memory_space<hbm>> -> memref<128xi32, #tpu.memory_space<hbm>>
        %dma_wait3A_30 = tpu.memref_slice %arg3[%add3A_15] : memref<53248xi32, #tpu.memory_space<hbm>> -> memref<128xi32, #tpu.memory_space<hbm>>
        tpu.wait_dma2 semaphore(%run_scoped3A : memref<!tpu.dma_semaphore, #tpu.memory_space<semaphore_mem>>) src(%dma_wait3A_30 : memref<128xi32, #tpu.memory_space<hbm>>) dst(%arg7 : memref<128xi32, #tpu.memory_space<vmem>>)
        tpu.yield
      }) : () -> ()
      "tpu.region"() ({
        %run_scoped3A = tpu.sem_alloc : memref<!tpu.dma_semaphore, #tpu.memory_space<semaphore_mem>>
        %dma_start3A_27 = tpu.memref_slice %arg4[%add3A_15] : memref<53248xi32, #tpu.memory_space<hbm>> -> memref<128xi32, #tpu.memory_space<hbm>>
        %dma_start3A_28 = tpu.memref_slice %arg4[%add3A_15] : memref<53248xi32, #tpu.memory_space<hbm>> -> memref<128xi32, #tpu.memory_space<hbm>>
        tpu.enqueue_dma source(%dma_start3A_28 : memref<128xi32, #tpu.memory_space<hbm>>) target(%arg8 : memref<128xi32, #tpu.memory_space<vmem>>) target_semaphore(%run_scoped3A : memref<!tpu.dma_semaphore, #tpu.memory_space<semaphore_mem>>)
        %dma_wait3A_29 = tpu.memref_slice %arg4[%add3A_15] : memref<53248xi32, #tpu.memory_space<hbm>> -> memref<128xi32, #tpu.memory_space<hbm>>
        %dma_wait3A_30 = tpu.memref_slice %arg4[%add3A_15] : memref<53248xi32, #tpu.memory_space<hbm>> -> memref<128xi32, #tpu.memory_space<hbm>>
        tpu.wait_dma2 semaphore(%run_scoped3A : memref<!tpu.dma_semaphore, #tpu.memory_space<semaphore_mem>>) src(%dma_wait3A_30 : memref<128xi32, #tpu.memory_space<hbm>>) dst(%arg8 : memref<128xi32, #tpu.memory_space<vmem>>)
        tpu.yield
      }) : () -> ()
      %dma_start3A = arith.constant 0 : i32
      %dma_start3A_16 = arith.constant 0 : i32
      %dma_start3A_17 = tpu.memref_slice %arg2[%dma_start3A, %dma_start3A_16] : memref<20000x128xf32, #tpu.memory_space<hbm>> -> memref<20000x128xf32, #tpu.memory_space<hbm>>
      tpu.enqueue_indirect_dma source(%dma_start3A_17 : memref<20000x128xf32, #tpu.memory_space<hbm>>) target(%arg9 : memref<128x128xf32, #tpu.memory_space<vmem>>) offsets(%arg7 : memref<128xi32, #tpu.memory_space<vmem>>) semaphore(%arg11 : memref<!tpu.dma_semaphore, #tpu.memory_space<semaphore_mem>>)
      %dma_start3A_18 = arith.constant 0 : i32
      %dma_start3A_19 = arith.constant 0 : i32
      %dma_start3A_20 = tpu.memref_slice %arg2[%dma_start3A_18, %dma_start3A_19] : memref<20000x128xf32, #tpu.memory_space<hbm>> -> memref<20000x128xf32, #tpu.memory_space<hbm>>
      tpu.enqueue_indirect_dma source(%dma_start3A_20 : memref<20000x128xf32, #tpu.memory_space<hbm>>) target(%arg10 : memref<128x128xf32, #tpu.memory_space<vmem>>) offsets(%arg8 : memref<128xi32, #tpu.memory_space<vmem>>) semaphore(%arg12 : memref<!tpu.dma_semaphore, #tpu.memory_space<semaphore_mem>>)
      %dma_wait3A = arith.constant 0 : i32
      %dma_wait3A_21 = arith.constant 0 : i32
      %dma_wait3A_22 = tpu.memref_slice %arg2[%dma_wait3A, %dma_wait3A_21] : memref<20000x128xf32, #tpu.memory_space<hbm>> -> memref<20000x128xf32, #tpu.memory_space<hbm>>
      tpu.wait_indirect_dma semaphore(%arg11 : memref<!tpu.dma_semaphore, #tpu.memory_space<semaphore_mem>>) src(%dma_wait3A_22 : memref<20000x128xf32, #tpu.memory_space<hbm>>) dst(%arg9 : memref<128x128xf32, #tpu.memory_space<vmem>>)
      %dma_wait3A_23 = arith.constant 0 : i32
      %dma_wait3A_24 = arith.constant 0 : i32
      %dma_wait3A_25 = tpu.memref_slice %arg2[%dma_wait3A_23, %dma_wait3A_24] : memref<20000x128xf32, #tpu.memory_space<hbm>> -> memref<20000x128xf32, #tpu.memory_space<hbm>>
      tpu.wait_indirect_dma semaphore(%arg12 : memref<!tpu.dma_semaphore, #tpu.memory_space<semaphore_mem>>) src(%dma_wait3A_25 : memref<20000x128xf32, #tpu.memory_space<hbm>>) dst(%arg10 : memref<128x128xf32, #tpu.memory_space<vmem>>)
      "tpu.region"() ({
        %run_scoped3A = tpu.sem_alloc : memref<!tpu.dma_semaphore, #tpu.memory_space<semaphore_mem>>
        %dma_start3A_27 = arith.constant 0 : i32
        %dma_start3A_28 = tpu.memref_slice %arg5[%add3A_15, %dma_start3A_27] : memref<53248x128xf32, #tpu.memory_space<hbm>> -> memref<128x128xf32, #tpu.memory_space<hbm>>
        %dma_start3A_29 = arith.constant 0 : i32
        %dma_start3A_30 = tpu.memref_slice %arg5[%add3A_15, %dma_start3A_29] : memref<53248x128xf32, #tpu.memory_space<hbm>> -> memref<128x128xf32, #tpu.memory_space<hbm>>
        tpu.enqueue_dma source(%arg9 : memref<128x128xf32, #tpu.memory_space<vmem>>) target(%dma_start3A_30 : memref<128x128xf32, #tpu.memory_space<hbm>>) target_semaphore(%run_scoped3A : memref<!tpu.dma_semaphore, #tpu.memory_space<semaphore_mem>>)
        %dma_wait3A_31 = arith.constant 0 : i32
        %dma_wait3A_32 = tpu.memref_slice %arg5[%add3A_15, %dma_wait3A_31] : memref<53248x128xf32, #tpu.memory_space<hbm>> -> memref<128x128xf32, #tpu.memory_space<hbm>>
        %dma_wait3A_33 = arith.constant 0 : i32
        %dma_wait3A_34 = tpu.memref_slice %arg5[%add3A_15, %dma_wait3A_33] : memref<53248x128xf32, #tpu.memory_space<hbm>> -> memref<128x128xf32, #tpu.memory_space<hbm>>
        tpu.wait_dma2 semaphore(%run_scoped3A : memref<!tpu.dma_semaphore, #tpu.memory_space<semaphore_mem>>) src(%arg9 : memref<128x128xf32, #tpu.memory_space<vmem>>) dst(%dma_wait3A_34 : memref<128x128xf32, #tpu.memory_space<hbm>>)
        tpu.yield
      }) : () -> ()
      "tpu.region"() ({
        %run_scoped3A = tpu.sem_alloc : memref<!tpu.dma_semaphore, #tpu.memory_space<semaphore_mem>>
        %dma_start3A_27 = arith.constant 0 : i32
        %dma_start3A_28 = tpu.memref_slice %arg6[%add3A_15, %dma_start3A_27] : memref<53248x128xf32, #tpu.memory_space<hbm>> -> memref<128x128xf32, #tpu.memory_space<hbm>>
        %dma_start3A_29 = arith.constant 0 : i32
        %dma_start3A_30 = tpu.memref_slice %arg6[%add3A_15, %dma_start3A_29] : memref<53248x128xf32, #tpu.memory_space<hbm>> -> memref<128x128xf32, #tpu.memory_space<hbm>>
        tpu.enqueue_dma source(%arg10 : memref<128x128xf32, #tpu.memory_space<vmem>>) target(%dma_start3A_30 : memref<128x128xf32, #tpu.memory_space<hbm>>) target_semaphore(%run_scoped3A : memref<!tpu.dma_semaphore, #tpu.memory_space<semaphore_mem>>)
        %dma_wait3A_31 = arith.constant 0 : i32
        %dma_wait3A_32 = tpu.memref_slice %arg6[%add3A_15, %dma_wait3A_31] : memref<53248x128xf32, #tpu.memory_space<hbm>> -> memref<128x128xf32, #tpu.memory_space<hbm>>
        %dma_wait3A_33 = arith.constant 0 : i32
        %dma_wait3A_34 = tpu.memref_slice %arg6[%add3A_15, %dma_wait3A_33] : memref<53248x128xf32, #tpu.memory_space<hbm>> -> memref<128x128xf32, #tpu.memory_space<hbm>>
        tpu.wait_dma2 semaphore(%run_scoped3A : memref<!tpu.dma_semaphore, #tpu.memory_space<semaphore_mem>>) src(%arg10 : memref<128x128xf32, #tpu.memory_space<vmem>>) dst(%dma_wait3A_34 : memref<128x128xf32, #tpu.memory_space<hbm>>)
        tpu.yield
      }) : () -> ()
      %scan3A_26 = arith.constant 0 : i32
      scf.yield %scan3A_26 : i32
    }
    %scan3A_10 = arith.constant 13 : i32
    return
  }
}

#map = affine_map<(d0, d1) -> (0, 0)>
#map1 = affine_map<(d0, d1) -> (0, 0, 0, 0)>
#map2 = affine_map<(d0, d1) -> (0, 0, 0)>
module attributes {stable_mosaic.version = 14 : i64} {
  func.func @_seg_body(%arg0: i32, %arg1: i32, %arg2: memref<20000x128xf32, #tpu.memory_space<hbm>>, %arg3: memref<32x158x2x128xi32, #tpu.memory_space<hbm>>, %arg4: memref<640x128xf32, #tpu.memory_space<hbm>>, %arg5: memref<2x10240x128xf32, #tpu.memory_space<hbm>>, %arg6: memref<2x128xi32, #tpu.memory_space<vmem>>, %arg7: memref<2x128xi32, #tpu.memory_space<vmem>>, %arg8: memref<128x128xf32, #tpu.memory_space<vmem>>, %arg9: memref<128x128xf32, #tpu.memory_space<vmem>>, %arg10: memref<10240x128xf32, #tpu.memory_space<vmem_shared>>, %arg11: memref<!tpu.dma_semaphore, #tpu.memory_space<semaphore_mem>>, %arg12: memref<!tpu.dma_semaphore, #tpu.memory_space<semaphore_mem>>, %arg13: memref<!tpu.dma_semaphore, #tpu.memory_space<semaphore_mem>>, %arg14: memref<!tpu.dma_semaphore, #tpu.memory_space<semaphore_mem>>) attributes {dimension_semantics = [#tpu.dimension_semantics<core_parallel>, #tpu.dimension_semantics<subcore_parallel>], iteration_bounds = array<i64: 2, 16>, scalar_prefetch = 0 : i64, scratch_operands = 9 : i64, tpu.core_type = #tpu.core_type<sc_vector_subcore>, window_params = [{transform_indices = #map}, {transform_indices = #map1}, {transform_indices = #map}, {transform_indices = #map2}]} {
    %mul3A = arith.constant 16 : i32
    %mul3A_0 = arith.muli %arg0, %mul3A : i32
    %add3A = arith.addi %mul3A_0, %arg1 : i32
    %mul3A_1 = arith.constant 640 : i32
    %mul3A_2 = arith.muli %arg1, %mul3A_1 : i32
    "tpu.region"() ({
      %run_scoped3A_10 = tpu.sem_alloc : memref<!tpu.dma_semaphore, #tpu.memory_space<semaphore_mem>>
      %dma_start3A = arith.constant 0 : i32
      %dma_start3A_11 = tpu.memref_slice %arg10[%mul3A_2, %dma_start3A] : memref<10240x128xf32, #tpu.memory_space<vmem_shared>> -> memref<640x128xf32, #tpu.memory_space<vmem_shared>>
      tpu.enqueue_dma source(%arg4 : memref<640x128xf32, #tpu.memory_space<hbm>>) target(%dma_start3A_11 : memref<640x128xf32, #tpu.memory_space<vmem_shared>>) target_semaphore(%run_scoped3A_10 : memref<!tpu.dma_semaphore, #tpu.memory_space<semaphore_mem>>)
      %dma_wait3A = arith.constant 0 : i32
      %dma_wait3A_12 = tpu.memref_slice %arg10[%mul3A_2, %dma_wait3A] : memref<10240x128xf32, #tpu.memory_space<vmem_shared>> -> memref<640x128xf32, #tpu.memory_space<vmem_shared>>
      tpu.wait_dma2 semaphore(%run_scoped3A_10 : memref<!tpu.dma_semaphore, #tpu.memory_space<semaphore_mem>>) src(%arg4 : memref<640x128xf32, #tpu.memory_space<hbm>>) dst(%dma_wait3A_12 : memref<640x128xf32, #tpu.memory_space<vmem_shared>>)
      tpu.yield
    }) : () -> ()
    %barrier3A = arith.constant 0 : index
    tpu.barrier barrier_id(%barrier3A)
    %run_scoped3A = arith.constant 0 : i32
    "tpu.region"() ({
      %run_scoped3A_10 = tpu.sem_alloc : memref<!tpu.dma_semaphore, #tpu.memory_space<semaphore_mem>>
      %dma_start3A = arith.constant 0 : i32
      %dma_start3A_11 = arith.constant 0 : i32
      %dma_start3A_12 = tpu.memref_slice %arg3[%add3A, %run_scoped3A, %dma_start3A, %dma_start3A_11] : memref<32x158x2x128xi32, #tpu.memory_space<hbm>> -> memref<1x1x2x128xi32, #tpu.memory_space<hbm>>
      %dma_start3A_13 = tpu.memref_squeeze %dma_start3A_12 : memref<1x1x2x128xi32, #tpu.memory_space<hbm>> -> memref<2x128xi32, #tpu.memory_space<hbm>>
      %dma_start3A_14 = arith.constant 0 : i32
      %dma_start3A_15 = arith.constant 0 : i32
      %dma_start3A_16 = tpu.memref_slice %arg3[%add3A, %run_scoped3A, %dma_start3A_14, %dma_start3A_15] : memref<32x158x2x128xi32, #tpu.memory_space<hbm>> -> memref<1x1x2x128xi32, #tpu.memory_space<hbm>>
      %dma_start3A_17 = tpu.memref_squeeze %dma_start3A_16 : memref<1x1x2x128xi32, #tpu.memory_space<hbm>> -> memref<2x128xi32, #tpu.memory_space<hbm>>
      tpu.enqueue_dma source(%dma_start3A_17 : memref<2x128xi32, #tpu.memory_space<hbm>>) target(%arg6 : memref<2x128xi32, #tpu.memory_space<vmem>>) target_semaphore(%run_scoped3A_10 : memref<!tpu.dma_semaphore, #tpu.memory_space<semaphore_mem>>)
      %dma_wait3A = arith.constant 0 : i32
      %dma_wait3A_18 = arith.constant 0 : i32
      %dma_wait3A_19 = tpu.memref_slice %arg3[%add3A, %run_scoped3A, %dma_wait3A, %dma_wait3A_18] : memref<32x158x2x128xi32, #tpu.memory_space<hbm>> -> memref<1x1x2x128xi32, #tpu.memory_space<hbm>>
      %dma_wait3A_20 = tpu.memref_squeeze %dma_wait3A_19 : memref<1x1x2x128xi32, #tpu.memory_space<hbm>> -> memref<2x128xi32, #tpu.memory_space<hbm>>
      %dma_wait3A_21 = arith.constant 0 : i32
      %dma_wait3A_22 = arith.constant 0 : i32
      %dma_wait3A_23 = tpu.memref_slice %arg3[%add3A, %run_scoped3A, %dma_wait3A_21, %dma_wait3A_22] : memref<32x158x2x128xi32, #tpu.memory_space<hbm>> -> memref<1x1x2x128xi32, #tpu.memory_space<hbm>>
      %dma_wait3A_24 = tpu.memref_squeeze %dma_wait3A_23 : memref<1x1x2x128xi32, #tpu.memory_space<hbm>> -> memref<2x128xi32, #tpu.memory_space<hbm>>
      tpu.wait_dma2 semaphore(%run_scoped3A_10 : memref<!tpu.dma_semaphore, #tpu.memory_space<semaphore_mem>>) src(%dma_wait3A_24 : memref<2x128xi32, #tpu.memory_space<hbm>>) dst(%arg6 : memref<2x128xi32, #tpu.memory_space<vmem>>)
      tpu.yield
    }) : () -> ()
    %scan3A = arith.constant 0 : i32
    %scan3A_3 = arith.constant 0 : i32
    %scan3A_4 = arith.constant 79 : i32
    %scan3A_5 = arith.addi %scan3A_3, %scan3A_4 : i32
    %scan3A_6 = arith.constant 1 : i32
    %scan3A_7 = scf.for %scan3A_10 = %scan3A_3 to %scan3A_5 step %scan3A_6 iter_args(%scan3A_11 = %scan3A) -> (i32)  : i32 {
      %mul3A_12 = arith.constant 2 : i32
      %mul3A_13 = arith.muli %mul3A_12, %scan3A_10 : i32
      %dma_start3A = arith.constant 0 : i32
      %dma_start3A_14 = arith.constant 0 : i32
      %dma_start3A_15 = tpu.memref_slice %arg6[%dma_start3A, %dma_start3A_14] : memref<2x128xi32, #tpu.memory_space<vmem>> -> memref<1x128xi32, #tpu.memory_space<vmem>>
      %dma_start3A_16 = tpu.memref_squeeze %dma_start3A_15 : memref<1x128xi32, #tpu.memory_space<vmem>> -> memref<128xi32, #tpu.memory_space<vmem>>
      %dma_start3A_17 = arith.constant 0 : i32
      %dma_start3A_18 = arith.constant 0 : i32
      %dma_start3A_19 = tpu.memref_slice %arg2[%dma_start3A_17, %dma_start3A_18] : memref<20000x128xf32, #tpu.memory_space<hbm>> -> memref<20000x128xf32, #tpu.memory_space<hbm>>
      tpu.enqueue_indirect_dma source(%dma_start3A_19 : memref<20000x128xf32, #tpu.memory_space<hbm>>) target(%arg8 : memref<128x128xf32, #tpu.memory_space<vmem>>) offsets(%dma_start3A_16 : memref<128xi32, #tpu.memory_space<vmem>>) semaphore(%arg11 : memref<!tpu.dma_semaphore, #tpu.memory_space<semaphore_mem>>)
      %add3A_20 = arith.constant 1 : i32
      %add3A_21 = arith.addi %mul3A_13, %add3A_20 : i32
      %lt3A = arith.constant 158 : i32
      %lt3A_22 = arith.cmpi slt, %add3A_21, %lt3A : i32
      %convert_element_type3A = arith.extui %lt3A_22 : i1 to i32
      %cond3A = arith.constant 0 : i32
      %cond3A_23 = arith.cmpi ne, %convert_element_type3A, %cond3A : i32
      scf.if %cond3A_23 {
        %add3A_72 = arith.constant 1 : i32
        %add3A_73 = arith.addi %mul3A_13, %add3A_72 : i32
        %dma_start3A_74 = arith.constant 0 : i32
        %dma_start3A_75 = arith.constant 0 : i32
        %dma_start3A_76 = tpu.memref_slice %arg3[%add3A, %add3A_73, %dma_start3A_74, %dma_start3A_75] : memref<32x158x2x128xi32, #tpu.memory_space<hbm>> -> memref<1x1x2x128xi32, #tpu.memory_space<hbm>>
        %dma_start3A_77 = tpu.memref_squeeze %dma_start3A_76 : memref<1x1x2x128xi32, #tpu.memory_space<hbm>> -> memref<2x128xi32, #tpu.memory_space<hbm>>
        %dma_start3A_78 = arith.constant 0 : i32
        %dma_start3A_79 = arith.constant 0 : i32
        %dma_start3A_80 = tpu.memref_slice %arg3[%add3A, %add3A_73, %dma_start3A_78, %dma_start3A_79] : memref<32x158x2x128xi32, #tpu.memory_space<hbm>> -> memref<1x1x2x128xi32, #tpu.memory_space<hbm>>
        %dma_start3A_81 = tpu.memref_squeeze %dma_start3A_80 : memref<1x1x2x128xi32, #tpu.memory_space<hbm>> -> memref<2x128xi32, #tpu.memory_space<hbm>>
        tpu.enqueue_dma source(%dma_start3A_81 : memref<2x128xi32, #tpu.memory_space<hbm>>) target(%arg7 : memref<2x128xi32, #tpu.memory_space<vmem>>) target_semaphore(%arg14 : memref<!tpu.dma_semaphore, #tpu.memory_space<semaphore_mem>>)
      } else {
      }
      %dma_wait3A = arith.constant 0 : i32
      %dma_wait3A_24 = arith.constant 0 : i32
      %dma_wait3A_25 = tpu.memref_slice %arg6[%dma_wait3A, %dma_wait3A_24] : memref<2x128xi32, #tpu.memory_space<vmem>> -> memref<1x128xi32, #tpu.memory_space<vmem>>
      %dma_wait3A_26 = tpu.memref_squeeze %dma_wait3A_25 : memref<1x128xi32, #tpu.memory_space<vmem>> -> memref<128xi32, #tpu.memory_space<vmem>>
      %dma_wait3A_27 = arith.constant 0 : i32
      %dma_wait3A_28 = arith.constant 0 : i32
      %dma_wait3A_29 = tpu.memref_slice %arg2[%dma_wait3A_27, %dma_wait3A_28] : memref<20000x128xf32, #tpu.memory_space<hbm>> -> memref<20000x128xf32, #tpu.memory_space<hbm>>
      tpu.wait_indirect_dma semaphore(%arg11 : memref<!tpu.dma_semaphore, #tpu.memory_space<semaphore_mem>>) src(%dma_wait3A_29 : memref<20000x128xf32, #tpu.memory_space<hbm>>) dst(%arg8 : memref<128x128xf32, #tpu.memory_space<vmem>>)
      %run_scoped3A_30 = arith.constant 1 : i32
      "tpu.region"() ({
        %run_scoped3A_72 = tpu.sem_alloc : memref<!tpu.dma_semaphore, #tpu.memory_space<semaphore_mem>>
        %dma_start3A_73 = arith.constant 0 : i32
        %dma_start3A_74 = tpu.memref_slice %arg6[%run_scoped3A_30, %dma_start3A_73] : memref<2x128xi32, #tpu.memory_space<vmem>> -> memref<1x128xi32, #tpu.memory_space<vmem>>
        %dma_start3A_75 = tpu.memref_squeeze %dma_start3A_74 : memref<1x128xi32, #tpu.memory_space<vmem>> -> memref<128xi32, #tpu.memory_space<vmem>>
        %dma_start3A_76 = arith.constant 0 : i32
        %dma_start3A_77 = arith.constant 0 : i32
        %dma_start3A_78 = tpu.memref_slice %arg10[%dma_start3A_76, %dma_start3A_77] : memref<10240x128xf32, #tpu.memory_space<vmem_shared>> -> memref<10240x128xf32, #tpu.memory_space<vmem_shared>>
        tpu.enqueue_indirect_dma source(%arg8 : memref<128x128xf32, #tpu.memory_space<vmem>>) target(%dma_start3A_78 : memref<10240x128xf32, #tpu.memory_space<vmem_shared>>) offsets(%dma_start3A_75 : memref<128xi32, #tpu.memory_space<vmem>>) semaphore(%run_scoped3A_72 : memref<!tpu.dma_semaphore, #tpu.memory_space<semaphore_mem>>) {add = true}
        %dma_wait3A_79 = arith.constant 0 : i32
        %dma_wait3A_80 = tpu.memref_slice %arg6[%run_scoped3A_30, %dma_wait3A_79] : memref<2x128xi32, #tpu.memory_space<vmem>> -> memref<1x128xi32, #tpu.memory_space<vmem>>
        %dma_wait3A_81 = tpu.memref_squeeze %dma_wait3A_80 : memref<1x128xi32, #tpu.memory_space<vmem>> -> memref<128xi32, #tpu.memory_space<vmem>>
        %dma_wait3A_82 = arith.constant 0 : i32
        %dma_wait3A_83 = arith.constant 0 : i32
        %dma_wait3A_84 = tpu.memref_slice %arg10[%dma_wait3A_82, %dma_wait3A_83] : memref<10240x128xf32, #tpu.memory_space<vmem_shared>> -> memref<10240x128xf32, #tpu.memory_space<vmem_shared>>
        tpu.wait_indirect_dma semaphore(%run_scoped3A_72 : memref<!tpu.dma_semaphore, #tpu.memory_space<semaphore_mem>>) src(%arg8 : memref<128x128xf32, #tpu.memory_space<vmem>>) dst(%dma_wait3A_84 : memref<10240x128xf32, #tpu.memory_space<vmem_shared>>)
        tpu.yield
      }) : () -> ()
      %add3A_31 = arith.constant 1 : i32
      %add3A_32 = arith.addi %mul3A_13, %add3A_31 : i32
      %lt3A_33 = arith.constant 158 : i32
      %lt3A_34 = arith.cmpi slt, %add3A_32, %lt3A_33 : i32
      %convert_element_type3A_35 = arith.extui %lt3A_34 : i1 to i32
      %cond3A_36 = arith.constant 0 : i32
      %cond3A_37 = arith.cmpi ne, %convert_element_type3A_35, %cond3A_36 : i32
      scf.if %cond3A_37 {
        %add3A_72 = arith.constant 1 : i32
        %add3A_73 = arith.addi %mul3A_13, %add3A_72 : i32
        %dma_wait3A_74 = arith.constant 0 : i32
        %dma_wait3A_75 = arith.constant 0 : i32
        %dma_wait3A_76 = tpu.memref_slice %arg3[%add3A, %add3A_73, %dma_wait3A_74, %dma_wait3A_75] : memref<32x158x2x128xi32, #tpu.memory_space<hbm>> -> memref<1x1x2x128xi32, #tpu.memory_space<hbm>>
        %dma_wait3A_77 = tpu.memref_squeeze %dma_wait3A_76 : memref<1x1x2x128xi32, #tpu.memory_space<hbm>> -> memref<2x128xi32, #tpu.memory_space<hbm>>
        %dma_wait3A_78 = arith.constant 0 : i32
        %dma_wait3A_79 = arith.constant 0 : i32
        %dma_wait3A_80 = tpu.memref_slice %arg3[%add3A, %add3A_73, %dma_wait3A_78, %dma_wait3A_79] : memref<32x158x2x128xi32, #tpu.memory_space<hbm>> -> memref<1x1x2x128xi32, #tpu.memory_space<hbm>>
        %dma_wait3A_81 = tpu.memref_squeeze %dma_wait3A_80 : memref<1x1x2x128xi32, #tpu.memory_space<hbm>> -> memref<2x128xi32, #tpu.memory_space<hbm>>
        tpu.wait_dma2 semaphore(%arg14 : memref<!tpu.dma_semaphore, #tpu.memory_space<semaphore_mem>>) src(%dma_wait3A_81 : memref<2x128xi32, #tpu.memory_space<hbm>>) dst(%arg7 : memref<2x128xi32, #tpu.memory_space<vmem>>)
      } else {
      }
      %mul3A_38 = arith.constant 2 : i32
      %mul3A_39 = arith.muli %mul3A_38, %scan3A_10 : i32
      %add3A_40 = arith.constant 1 : i32
      %add3A_41 = arith.addi %mul3A_39, %add3A_40 : i32
      %dma_start3A_42 = arith.constant 0 : i32
      %dma_start3A_43 = arith.constant 0 : i32
      %dma_start3A_44 = tpu.memref_slice %arg7[%dma_start3A_42, %dma_start3A_43] : memref<2x128xi32, #tpu.memory_space<vmem>> -> memref<1x128xi32, #tpu.memory_space<vmem>>
      %dma_start3A_45 = tpu.memref_squeeze %dma_start3A_44 : memref<1x128xi32, #tpu.memory_space<vmem>> -> memref<128xi32, #tpu.memory_space<vmem>>
      %dma_start3A_46 = arith.constant 0 : i32
      %dma_start3A_47 = arith.constant 0 : i32
      %dma_start3A_48 = tpu.memref_slice %arg2[%dma_start3A_46, %dma_start3A_47] : memref<20000x128xf32, #tpu.memory_space<hbm>> -> memref<20000x128xf32, #tpu.memory_space<hbm>>
      tpu.enqueue_indirect_dma source(%dma_start3A_48 : memref<20000x128xf32, #tpu.memory_space<hbm>>) target(%arg9 : memref<128x128xf32, #tpu.memory_space<vmem>>) offsets(%dma_start3A_45 : memref<128xi32, #tpu.memory_space<vmem>>) semaphore(%arg12 : memref<!tpu.dma_semaphore, #tpu.memory_space<semaphore_mem>>)
      %add3A_49 = arith.constant 1 : i32
      %add3A_50 = arith.addi %add3A_41, %add3A_49 : i32
      %lt3A_51 = arith.constant 158 : i32
      %lt3A_52 = arith.cmpi slt, %add3A_50, %lt3A_51 : i32
      %convert_element_type3A_53 = arith.extui %lt3A_52 : i1 to i32
      %cond3A_54 = arith.constant 0 : i32
      %cond3A_55 = arith.cmpi ne, %convert_element_type3A_53, %cond3A_54 : i32
      scf.if %cond3A_55 {
        %add3A_72 = arith.constant 1 : i32
        %add3A_73 = arith.addi %add3A_41, %add3A_72 : i32
        %dma_start3A_74 = arith.constant 0 : i32
        %dma_start3A_75 = arith.constant 0 : i32
        %dma_start3A_76 = tpu.memref_slice %arg3[%add3A, %add3A_73, %dma_start3A_74, %dma_start3A_75] : memref<32x158x2x128xi32, #tpu.memory_space<hbm>> -> memref<1x1x2x128xi32, #tpu.memory_space<hbm>>
        %dma_start3A_77 = tpu.memref_squeeze %dma_start3A_76 : memref<1x1x2x128xi32, #tpu.memory_space<hbm>> -> memref<2x128xi32, #tpu.memory_space<hbm>>
        %dma_start3A_78 = arith.constant 0 : i32
        %dma_start3A_79 = arith.constant 0 : i32
        %dma_start3A_80 = tpu.memref_slice %arg3[%add3A, %add3A_73, %dma_start3A_78, %dma_start3A_79] : memref<32x158x2x128xi32, #tpu.memory_space<hbm>> -> memref<1x1x2x128xi32, #tpu.memory_space<hbm>>
        %dma_start3A_81 = tpu.memref_squeeze %dma_start3A_80 : memref<1x1x2x128xi32, #tpu.memory_space<hbm>> -> memref<2x128xi32, #tpu.memory_space<hbm>>
        tpu.enqueue_dma source(%dma_start3A_81 : memref<2x128xi32, #tpu.memory_space<hbm>>) target(%arg6 : memref<2x128xi32, #tpu.memory_space<vmem>>) target_semaphore(%arg13 : memref<!tpu.dma_semaphore, #tpu.memory_space<semaphore_mem>>)
      } else {
      }
      %dma_wait3A_56 = arith.constant 0 : i32
      %dma_wait3A_57 = arith.constant 0 : i32
      %dma_wait3A_58 = tpu.memref_slice %arg7[%dma_wait3A_56, %dma_wait3A_57] : memref<2x128xi32, #tpu.memory_space<vmem>> -> memref<1x128xi32, #tpu.memory_space<vmem>>
      %dma_wait3A_59 = tpu.memref_squeeze %dma_wait3A_58 : memref<1x128xi32, #tpu.memory_space<vmem>> -> memref<128xi32, #tpu.memory_space<vmem>>
      %dma_wait3A_60 = arith.constant 0 : i32
      %dma_wait3A_61 = arith.constant 0 : i32
      %dma_wait3A_62 = tpu.memref_slice %arg2[%dma_wait3A_60, %dma_wait3A_61] : memref<20000x128xf32, #tpu.memory_space<hbm>> -> memref<20000x128xf32, #tpu.memory_space<hbm>>
      tpu.wait_indirect_dma semaphore(%arg12 : memref<!tpu.dma_semaphore, #tpu.memory_space<semaphore_mem>>) src(%dma_wait3A_62 : memref<20000x128xf32, #tpu.memory_space<hbm>>) dst(%arg9 : memref<128x128xf32, #tpu.memory_space<vmem>>)
      %run_scoped3A_63 = arith.constant 1 : i32
      "tpu.region"() ({
        %run_scoped3A_72 = tpu.sem_alloc : memref<!tpu.dma_semaphore, #tpu.memory_space<semaphore_mem>>
        %dma_start3A_73 = arith.constant 0 : i32
        %dma_start3A_74 = tpu.memref_slice %arg7[%run_scoped3A_63, %dma_start3A_73] : memref<2x128xi32, #tpu.memory_space<vmem>> -> memref<1x128xi32, #tpu.memory_space<vmem>>
        %dma_start3A_75 = tpu.memref_squeeze %dma_start3A_74 : memref<1x128xi32, #tpu.memory_space<vmem>> -> memref<128xi32, #tpu.memory_space<vmem>>
        %dma_start3A_76 = arith.constant 0 : i32
        %dma_start3A_77 = arith.constant 0 : i32
        %dma_start3A_78 = tpu.memref_slice %arg10[%dma_start3A_76, %dma_start3A_77] : memref<10240x128xf32, #tpu.memory_space<vmem_shared>> -> memref<10240x128xf32, #tpu.memory_space<vmem_shared>>
        tpu.enqueue_indirect_dma source(%arg9 : memref<128x128xf32, #tpu.memory_space<vmem>>) target(%dma_start3A_78 : memref<10240x128xf32, #tpu.memory_space<vmem_shared>>) offsets(%dma_start3A_75 : memref<128xi32, #tpu.memory_space<vmem>>) semaphore(%run_scoped3A_72 : memref<!tpu.dma_semaphore, #tpu.memory_space<semaphore_mem>>) {add = true}
        %dma_wait3A_79 = arith.constant 0 : i32
        %dma_wait3A_80 = tpu.memref_slice %arg7[%run_scoped3A_63, %dma_wait3A_79] : memref<2x128xi32, #tpu.memory_space<vmem>> -> memref<1x128xi32, #tpu.memory_space<vmem>>
        %dma_wait3A_81 = tpu.memref_squeeze %dma_wait3A_80 : memref<1x128xi32, #tpu.memory_space<vmem>> -> memref<128xi32, #tpu.memory_space<vmem>>
        %dma_wait3A_82 = arith.constant 0 : i32
        %dma_wait3A_83 = arith.constant 0 : i32
        %dma_wait3A_84 = tpu.memref_slice %arg10[%dma_wait3A_82, %dma_wait3A_83] : memref<10240x128xf32, #tpu.memory_space<vmem_shared>> -> memref<10240x128xf32, #tpu.memory_space<vmem_shared>>
        tpu.wait_indirect_dma semaphore(%run_scoped3A_72 : memref<!tpu.dma_semaphore, #tpu.memory_space<semaphore_mem>>) src(%arg9 : memref<128x128xf32, #tpu.memory_space<vmem>>) dst(%dma_wait3A_84 : memref<10240x128xf32, #tpu.memory_space<vmem_shared>>)
        tpu.yield
      }) : () -> ()
      %add3A_64 = arith.constant 1 : i32
      %add3A_65 = arith.addi %add3A_41, %add3A_64 : i32
      %lt3A_66 = arith.constant 158 : i32
      %lt3A_67 = arith.cmpi slt, %add3A_65, %lt3A_66 : i32
      %convert_element_type3A_68 = arith.extui %lt3A_67 : i1 to i32
      %cond3A_69 = arith.constant 0 : i32
      %cond3A_70 = arith.cmpi ne, %convert_element_type3A_68, %cond3A_69 : i32
      scf.if %cond3A_70 {
        %add3A_72 = arith.constant 1 : i32
        %add3A_73 = arith.addi %add3A_41, %add3A_72 : i32
        %dma_wait3A_74 = arith.constant 0 : i32
        %dma_wait3A_75 = arith.constant 0 : i32
        %dma_wait3A_76 = tpu.memref_slice %arg3[%add3A, %add3A_73, %dma_wait3A_74, %dma_wait3A_75] : memref<32x158x2x128xi32, #tpu.memory_space<hbm>> -> memref<1x1x2x128xi32, #tpu.memory_space<hbm>>
        %dma_wait3A_77 = tpu.memref_squeeze %dma_wait3A_76 : memref<1x1x2x128xi32, #tpu.memory_space<hbm>> -> memref<2x128xi32, #tpu.memory_space<hbm>>
        %dma_wait3A_78 = arith.constant 0 : i32
        %dma_wait3A_79 = arith.constant 0 : i32
        %dma_wait3A_80 = tpu.memref_slice %arg3[%add3A, %add3A_73, %dma_wait3A_78, %dma_wait3A_79] : memref<32x158x2x128xi32, #tpu.memory_space<hbm>> -> memref<1x1x2x128xi32, #tpu.memory_space<hbm>>
        %dma_wait3A_81 = tpu.memref_squeeze %dma_wait3A_80 : memref<1x1x2x128xi32, #tpu.memory_space<hbm>> -> memref<2x128xi32, #tpu.memory_space<hbm>>
        tpu.wait_dma2 semaphore(%arg13 : memref<!tpu.dma_semaphore, #tpu.memory_space<semaphore_mem>>) src(%dma_wait3A_81 : memref<2x128xi32, #tpu.memory_space<hbm>>) dst(%arg6 : memref<2x128xi32, #tpu.memory_space<vmem>>)
      } else {
      }
      %scan3A_71 = arith.constant 0 : i32
      scf.yield %scan3A_71 : i32
    }
    %scan3A_8 = arith.constant 79 : i32
    %barrier3A_9 = arith.constant 0 : index
    tpu.barrier barrier_id(%barrier3A_9)
    "tpu.region"() ({
      %run_scoped3A_10 = tpu.sem_alloc : memref<!tpu.dma_semaphore, #tpu.memory_space<semaphore_mem>>
      %dma_start3A = arith.constant 0 : i32
      %dma_start3A_11 = tpu.memref_slice %arg5[%arg0, %mul3A_2, %dma_start3A] : memref<2x10240x128xf32, #tpu.memory_space<hbm>> -> memref<1x640x128xf32, #tpu.memory_space<hbm>>
      %dma_start3A_12 = tpu.memref_squeeze %dma_start3A_11 : memref<1x640x128xf32, #tpu.memory_space<hbm>> -> memref<640x128xf32, #tpu.memory_space<hbm>>
      %dma_start3A_13 = arith.constant 0 : i32
      %dma_start3A_14 = tpu.memref_slice %arg10[%mul3A_2, %dma_start3A_13] : memref<10240x128xf32, #tpu.memory_space<vmem_shared>> -> memref<640x128xf32, #tpu.memory_space<vmem_shared>>
      tpu.enqueue_dma source(%dma_start3A_14 : memref<640x128xf32, #tpu.memory_space<vmem_shared>>) target(%dma_start3A_12 : memref<640x128xf32, #tpu.memory_space<hbm>>) target_semaphore(%run_scoped3A_10 : memref<!tpu.dma_semaphore, #tpu.memory_space<semaphore_mem>>)
      %dma_wait3A = arith.constant 0 : i32
      %dma_wait3A_15 = tpu.memref_slice %arg5[%arg0, %mul3A_2, %dma_wait3A] : memref<2x10240x128xf32, #tpu.memory_space<hbm>> -> memref<1x640x128xf32, #tpu.memory_space<hbm>>
      %dma_wait3A_16 = tpu.memref_squeeze %dma_wait3A_15 : memref<1x640x128xf32, #tpu.memory_space<hbm>> -> memref<640x128xf32, #tpu.memory_space<hbm>>
      %dma_wait3A_17 = arith.constant 0 : i32
      %dma_wait3A_18 = tpu.memref_slice %arg10[%mul3A_2, %dma_wait3A_17] : memref<10240x128xf32, #tpu.memory_space<vmem_shared>> -> memref<640x128xf32, #tpu.memory_space<vmem_shared>>
      tpu.wait_dma2 semaphore(%run_scoped3A_10 : memref<!tpu.dma_semaphore, #tpu.memory_space<semaphore_mem>>) src(%dma_wait3A_18 : memref<640x128xf32, #tpu.memory_space<vmem_shared>>) dst(%dma_wait3A_16 : memref<640x128xf32, #tpu.memory_space<hbm>>)
      tpu.yield
    }) : () -> ()
    return
  }
}

module attributes {stable_mosaic.version = 14 : i64} {
  func.func @body(%arg0: i32, %arg1: memref<2000x128xf32, #tpu.memory_space<vmem>>, %arg2: memref<128x128xf32, #tpu.memory_space<vmem>>, %arg3: memref<1x128xf32, #tpu.memory_space<vmem>>, %arg4: memref<2000x128xf32, #tpu.memory_space<vmem>>, %arg5: memref<2000x128xf32, #tpu.memory_space<vmem>>) attributes {dimension_semantics = [#tpu.dimension_semantics<arbitrary>], iteration_bounds = array<i64: 5>, scalar_prefetch = 0 : i64, scratch_operands = 0 : i64, tpu.core_type = #tpu.core_type<tc>, window_params = [{transform_indices = @transform_0, window_bounds = array<i64: 2000, 128>}, {pipeline_mode = #tpu.pipeline_mode<synchronous>, transform_indices = @transform_1, window_bounds = array<i64: 128, 128>}, {pipeline_mode = #tpu.pipeline_mode<synchronous>, transform_indices = @transform_2, window_bounds = array<i64: 1, 128>}, {transform_indices = @transform_3, window_bounds = array<i64: 2000, 128>}, {transform_indices = @transform_4, window_bounds = array<i64: 2000, 128>}]} {
    %get3A = arith.constant 0 : index
    %get3A_0 = arith.constant 0 : index
    %get3A_1 = vector.load %arg1[%get3A, %get3A_0] : memref<2000x128xf32, #tpu.memory_space<vmem>>, vector<2000x128xf32>
    %get3A_2 = arith.constant 0 : index
    %get3A_3 = arith.constant 0 : index
    %get3A_4 = vector.load %arg2[%get3A_2, %get3A_3] : memref<128x128xf32, #tpu.memory_space<vmem>>, vector<128x128xf32>
    %dot_general3A = arith.constant dense<0.000000e+00> : vector<2000x128xf32>
    %dot_general3A_5 = tpu.matmul %get3A_1, %get3A_4, %dot_general3A {dimension_numbers = #tpu.dot_dimension_numbers<[1], [0], [0], [1], [0, 0, 1, 1], [], []>, transpose_lhs_hint = false} : vector<2000x128xf32>, vector<128x128xf32>, vector<2000x128xf32> -> vector<2000x128xf32>
    %get3A_6 = arith.constant 0 : index
    %get3A_7 = arith.constant 0 : index
    %get3A_8 = vector.load %arg3[%get3A_6, %get3A_7] : memref<1x128xf32, #tpu.memory_space<vmem>>, vector<1x128xf32>
    %add3A = vector.broadcast %get3A_8 : vector<1x128xf32> to vector<2000x128xf32>
    %add3A_9 = arith.addf %dot_general3A_5, %add3A : vector<2000x128xf32>
    %get3A_10 = arith.constant 0 : index
    %get3A_11 = arith.constant 0 : index
    %get3A_12 = vector.load %arg4[%get3A_10, %get3A_11] : memref<2000x128xf32, #tpu.memory_space<vmem>>, vector<2000x128xf32>
    %add3A_13 = arith.addf %add3A_9, %get3A_12 : vector<2000x128xf32>
    %swap3A = arith.constant 0 : index
    %swap3A_14 = arith.constant 0 : index
    %swap3A_15 = vector.load %arg5[%swap3A, %swap3A_14] : memref<2000x128xf32, #tpu.memory_space<vmem>>, vector<2000x128xf32>
    tpu.vector_store %arg5[%swap3A, %swap3A_14], %add3A_13 {strides = array<i32>} : memref<2000x128xf32, #tpu.memory_space<vmem>>, vector<2000x128xf32>,
    return
  }
  func.func @transform_0(%arg0: i32) -> (i32, i32) {
    %c0_i32 = arith.constant 0 : i32
    %c0_i32_0 = arith.constant 0 : i32
    return %arg0, %c0_i32 : i32, i32
  }
  func.func @transform_1(%arg0: i32) -> (i32, i32) {
    %c0_i32 = arith.constant 0 : i32
    %c0_i32_0 = arith.constant 0 : i32
    %c0_i32_1 = arith.constant 0 : i32
    return %c0_i32, %c0_i32_0 : i32, i32
  }
  func.func @transform_2(%arg0: i32) -> (i32, i32) {
    %c0_i32 = arith.constant 0 : i32
    %c0_i32_0 = arith.constant 0 : i32
    %c0_i32_1 = arith.constant 0 : i32
    return %c0_i32, %c0_i32_0 : i32, i32
  }
  func.func @transform_3(%arg0: i32) -> (i32, i32) {
    %c0_i32 = arith.constant 0 : i32
    %c0_i32_0 = arith.constant 0 : i32
    return %arg0, %c0_i32 : i32, i32
  }
  func.func @transform_4(%arg0: i32) -> (i32, i32) {
    %c0_i32 = arith.constant 0 : i32
    %c0_i32_0 = arith.constant 0 : i32
    return %arg0, %c0_i32 : i32, i32
  }
}

module attributes {stable_mosaic.version = 14 : i64} {
  func.func @body(%arg0: i32, %arg1: memref<2000x128xf32, #tpu.memory_space<vmem>>, %arg2: memref<2000x128xf32, #tpu.memory_space<vmem>>, %arg3: memref<2000x8xf32, #tpu.memory_space<vmem>>, %arg4: memref<1x128x128xf32, #tpu.memory_space<vmem>>, %arg5: memref<1x128x128xf32, #tpu.memory_space<vmem>>, %arg6: memref<1x1x128xf32, #tpu.memory_space<vmem>>, %arg7: memref<2000x128xf32, #tpu.memory_space<vmem>>) attributes {dimension_semantics = [#tpu.dimension_semantics<arbitrary>], iteration_bounds = array<i64: 10>, scalar_prefetch = 0 : i64, scratch_operands = 0 : i64, tpu.core_type = #tpu.core_type<tc>, window_params = [{transform_indices = @transform_0, window_bounds = array<i64: 2000, 128>}, {transform_indices = @transform_1, window_bounds = array<i64: 2000, 128>}, {transform_indices = @transform_2, window_bounds = array<i64: 2000, 8>}, {transform_indices = @transform_3, window_bounds = array<i64: 1, 128, 128>}, {transform_indices = @transform_4, window_bounds = array<i64: 1, 128, 128>}, {transform_indices = @transform_5, window_bounds = array<i64: 1, 1, 128>}, {transform_indices = @transform_6, window_bounds = array<i64: 2000, 128>}]} {
    %get3A = arith.constant 0 : index
    %get3A_0 = arith.constant 0 : index
    %get3A_1 = vector.load %arg3[%get3A, %get3A_0] : memref<2000x8xf32, #tpu.memory_space<vmem>>, vector<2000x1xf32>
    %max3A = arith.constant 1.000000e+00 : f32
    %max3A_2 = vector.broadcast %max3A : f32 to vector<2000x1xf32>
    %max3A_3 = arith.maximumf %get3A_1, %max3A_2 : vector<2000x1xf32>
    %div3A = arith.constant 1.000000e+00 : f32
    %div3A_4 = vector.broadcast %div3A : f32 to vector<2000x1xf32>
    %div3A_5 = arith.divf %div3A_4, %max3A_3 : vector<2000x1xf32>
    %get3A_6 = arith.constant 0 : index
    %get3A_7 = arith.constant 0 : index
    %get3A_8 = vector.load %arg1[%get3A_6, %get3A_7] : memref<2000x128xf32, #tpu.memory_space<vmem>>, vector<2000x128xf32>
    %get3A_9 = arith.constant 0 : index
    %get3A_10 = arith.constant 0 : index
    %get3A_11 = arith.constant 0 : index
    %get3A_12 = vector.load %arg4[%get3A_9, %get3A_10, %get3A_11] : memref<1x128x128xf32, #tpu.memory_space<vmem>>, vector<1x128x128xf32>
    %get3A_13 = vector.shape_cast %get3A_12 : vector<1x128x128xf32> to vector<128x128xf32>
    %dot_general3A = arith.constant dense<0.000000e+00> : vector<2000x128xf32>
    %dot_general3A_14 = tpu.matmul %get3A_8, %get3A_13, %dot_general3A {dimension_numbers = #tpu.dot_dimension_numbers<[1], [0], [0], [1], [0, 0, 1, 1], [], []>, transpose_lhs_hint = false} : vector<2000x128xf32>, vector<128x128xf32>, vector<2000x128xf32> -> vector<2000x128xf32>
    %get3A_15 = arith.constant 0 : index
    %get3A_16 = arith.constant 0 : index
    %get3A_17 = vector.load %arg2[%get3A_15, %get3A_16] : memref<2000x128xf32, #tpu.memory_space<vmem>>, vector<2000x128xf32>
    %mul3A = vector.broadcast %div3A_5 : vector<2000x1xf32> to vector<2000x128xf32>
    %mul3A_18 = arith.mulf %get3A_17, %mul3A : vector<2000x128xf32>
    %get3A_19 = arith.constant 0 : index
    %get3A_20 = arith.constant 0 : index
    %get3A_21 = arith.constant 0 : index
    %get3A_22 = vector.load %arg5[%get3A_19, %get3A_20, %get3A_21] : memref<1x128x128xf32, #tpu.memory_space<vmem>>, vector<1x128x128xf32>
    %get3A_23 = vector.shape_cast %get3A_22 : vector<1x128x128xf32> to vector<128x128xf32>
    %dot_general3A_24 = arith.constant dense<0.000000e+00> : vector<2000x128xf32>
    %dot_general3A_25 = tpu.matmul %mul3A_18, %get3A_23, %dot_general3A_24 {dimension_numbers = #tpu.dot_dimension_numbers<[1], [0], [0], [1], [0, 0, 1, 1], [], []>, transpose_lhs_hint = false} : vector<2000x128xf32>, vector<128x128xf32>, vector<2000x128xf32> -> vector<2000x128xf32>
    %add3A = arith.addf %dot_general3A_14, %dot_general3A_25 : vector<2000x128xf32>
    %get3A_26 = arith.constant 0 : index
    %get3A_27 = arith.constant 0 : index
    %get3A_28 = arith.constant 0 : index
    %get3A_29 = vector.load %arg6[%get3A_26, %get3A_27, %get3A_28] : memref<1x1x128xf32, #tpu.memory_space<vmem>>, vector<1x1x128xf32>
    %get3A_30 = vector.shape_cast %get3A_29 : vector<1x1x128xf32> to vector<1x128xf32>
    %add3A_31 = vector.broadcast %get3A_30 : vector<1x128xf32> to vector<2000x128xf32>
    %add3A_32 = arith.addf %add3A, %add3A_31 : vector<2000x128xf32>
    %max3A_33 = arith.constant 0.000000e+00 : f32
    %max3A_34 = vector.broadcast %max3A_33 : f32 to vector<2000x128xf32>
    %max3A_35 = arith.maximumf %add3A_32, %max3A_34 : vector<2000x128xf32>
    %swap3A = arith.constant 0 : index
    %swap3A_36 = arith.constant 0 : index
    %swap3A_37 = vector.load %arg7[%swap3A, %swap3A_36] : memref<2000x128xf32, #tpu.memory_space<vmem>>, vector<2000x128xf32>
    tpu.vector_store %arg7[%swap3A, %swap3A_36], %max3A_35 {strides = array<i32>} : memref<2000x128xf32, #tpu.memory_space<vmem>>, vector<2000x128xf32>,
    return
  }
  func.func @transform_0(%arg0: i32) -> (i32, i32) {
    %c0_i32 = arith.constant 0 : i32
    %c0_i32_0 = arith.constant 0 : i32
    return %arg0, %c0_i32 : i32, i32
  }
  func.func @transform_1(%arg0: i32) -> (i32, i32) {
    %c0_i32 = arith.constant 0 : i32
    %c0_i32_0 = arith.constant 0 : i32
    return %arg0, %c0_i32 : i32, i32
  }
  func.func @transform_2(%arg0: i32) -> (i32, i32) {
    %c0_i32 = arith.constant 0 : i32
    %c0_i32_0 = arith.constant 0 : i32
    return %arg0, %c0_i32 : i32, i32
  }
  func.func @transform_3(%arg0: i32) -> (i32, i32, i32) {
    %jit3A = arith.constant 5 : i32
    %div3A = arith.divsi %arg0, %jit3A : i32
    %sign3A = arith.constant 0 : i32
    %sign3A_0 = arith.cmpi sgt, %arg0, %sign3A : i32
    %sign3A_1 = arith.extui %sign3A_0 : i1 to i32
    %sign3A_2 = arith.constant 0 : i32
    %sign3A_3 = arith.cmpi slt, %arg0, %sign3A_2 : i32
    %sign3A_4 = arith.extui %sign3A_3 : i1 to i32
    %sign3A_5 = arith.subi %sign3A_1, %sign3A_4 : i32
    %sign3A_6 = arith.constant 0 : i32
    %sign3A_7 = arith.cmpi sgt, %jit3A, %sign3A_6 : i32
    %sign3A_8 = arith.extui %sign3A_7 : i1 to i32
    %sign3A_9 = arith.constant 0 : i32
    %sign3A_10 = arith.cmpi slt, %jit3A, %sign3A_9 : i32
    %sign3A_11 = arith.extui %sign3A_10 : i1 to i32
    %sign3A_12 = arith.subi %sign3A_8, %sign3A_11 : i32
    %ne3A = arith.cmpi ne, %sign3A_5, %sign3A_12 : i32
    %rem3A = arith.remsi %arg0, %jit3A : i32
    %ne3A_13 = arith.constant 0 : i32
    %ne3A_14 = arith.cmpi ne, %rem3A, %ne3A_13 : i32
    %and3A = arith.andi %ne3A, %ne3A_14 : i1
    %sub3A = arith.constant 1 : i32
    %sub3A_15 = arith.subi %div3A, %sub3A : i32
    %select_n3A = arith.select %and3A, %sub3A_15, %div3A : i32
    %c0_i32 = arith.constant 0 : i32
    %c0_i32_16 = arith.constant 0 : i32
    %c0_i32_17 = arith.constant 0 : i32
    return %select_n3A, %c0_i32, %c0_i32_16 : i32, i32, i32
  }
  func.func @transform_4(%arg0: i32) -> (i32, i32, i32) {
    %jit3A = arith.constant 5 : i32
    %div3A = arith.divsi %arg0, %jit3A : i32
    %sign3A = arith.constant 0 : i32
    %sign3A_0 = arith.cmpi sgt, %arg0, %sign3A : i32
    %sign3A_1 = arith.extui %sign3A_0 : i1 to i32
    %sign3A_2 = arith.constant 0 : i32
    %sign3A_3 = arith.cmpi slt, %arg0, %sign3A_2 : i32
    %sign3A_4 = arith.extui %sign3A_3 : i1 to i32
    %sign3A_5 = arith.subi %sign3A_1, %sign3A_4 : i32
    %sign3A_6 = arith.constant 0 : i32
    %sign3A_7 = arith.cmpi sgt, %jit3A, %sign3A_6 : i32
    %sign3A_8 = arith.extui %sign3A_7 : i1 to i32
    %sign3A_9 = arith.constant 0 : i32
    %sign3A_10 = arith.cmpi slt, %jit3A, %sign3A_9 : i32
    %sign3A_11 = arith.extui %sign3A_10 : i1 to i32
    %sign3A_12 = arith.subi %sign3A_8, %sign3A_11 : i32
    %ne3A = arith.cmpi ne, %sign3A_5, %sign3A_12 : i32
    %rem3A = arith.remsi %arg0, %jit3A : i32
    %ne3A_13 = arith.constant 0 : i32
    %ne3A_14 = arith.cmpi ne, %rem3A, %ne3A_13 : i32
    %and3A = arith.andi %ne3A, %ne3A_14 : i1
    %sub3A = arith.constant 1 : i32
    %sub3A_15 = arith.subi %div3A, %sub3A : i32
    %select_n3A = arith.select %and3A, %sub3A_15, %div3A : i32
    %c0_i32 = arith.constant 0 : i32
    %c0_i32_16 = arith.constant 0 : i32
    %c0_i32_17 = arith.constant 0 : i32
    return %select_n3A, %c0_i32, %c0_i32_16 : i32, i32, i32
  }
  func.func @transform_5(%arg0: i32) -> (i32, i32, i32) {
    %jit3A = arith.constant 5 : i32
    %div3A = arith.divsi %arg0, %jit3A : i32
    %sign3A = arith.constant 0 : i32
    %sign3A_0 = arith.cmpi sgt, %arg0, %sign3A : i32
    %sign3A_1 = arith.extui %sign3A_0 : i1 to i32
    %sign3A_2 = arith.constant 0 : i32
    %sign3A_3 = arith.cmpi slt, %arg0, %sign3A_2 : i32
    %sign3A_4 = arith.extui %sign3A_3 : i1 to i32
    %sign3A_5 = arith.subi %sign3A_1, %sign3A_4 : i32
    %sign3A_6 = arith.constant 0 : i32
    %sign3A_7 = arith.cmpi sgt, %jit3A, %sign3A_6 : i32
    %sign3A_8 = arith.extui %sign3A_7 : i1 to i32
    %sign3A_9 = arith.constant 0 : i32
    %sign3A_10 = arith.cmpi slt, %jit3A, %sign3A_9 : i32
    %sign3A_11 = arith.extui %sign3A_10 : i1 to i32
    %sign3A_12 = arith.subi %sign3A_8, %sign3A_11 : i32
    %ne3A = arith.cmpi ne, %sign3A_5, %sign3A_12 : i32
    %rem3A = arith.remsi %arg0, %jit3A : i32
    %ne3A_13 = arith.constant 0 : i32
    %ne3A_14 = arith.cmpi ne, %rem3A, %ne3A_13 : i32
    %and3A = arith.andi %ne3A, %ne3A_14 : i1
    %sub3A = arith.constant 1 : i32
    %sub3A_15 = arith.subi %div3A, %sub3A : i32
    %select_n3A = arith.select %and3A, %sub3A_15, %div3A : i32
    %c0_i32 = arith.constant 0 : i32
    %c0_i32_16 = arith.constant 0 : i32
    %c0_i32_17 = arith.constant 0 : i32
    return %select_n3A, %c0_i32, %c0_i32_16 : i32, i32, i32
  }
  func.func @transform_6(%arg0: i32) -> (i32, i32) {
    %c0_i32 = arith.constant 0 : i32
    %c0_i32_0 = arith.constant 0 : i32
    return %arg0, %c0_i32 : i32, i32
  }
}

module attributes {stable_mosaic.version = 14 : i64} {
  func.func @body(%arg0: i32, %arg1: memref<2000x128xf32, #tpu.memory_space<vmem>>, %arg2: memref<2000x128xf32, #tpu.memory_space<vmem>>, %arg3: memref<2000x8xf32, #tpu.memory_space<vmem>>, %arg4: memref<1x128x128xf32, #tpu.memory_space<vmem>>, %arg5: memref<1x128x128xf32, #tpu.memory_space<vmem>>, %arg6: memref<1x1x128xf32, #tpu.memory_space<vmem>>, %arg7: memref<2000x128xf32, #tpu.memory_space<vmem>>) attributes {dimension_semantics = [#tpu.dimension_semantics<arbitrary>], iteration_bounds = array<i64: 10>, scalar_prefetch = 0 : i64, scratch_operands = 0 : i64, tpu.core_type = #tpu.core_type<tc>, window_params = [{transform_indices = @transform_0, window_bounds = array<i64: 2000, 128>}, {transform_indices = @transform_1, window_bounds = array<i64: 2000, 128>}, {transform_indices = @transform_2, window_bounds = array<i64: 2000, 8>}, {transform_indices = @transform_3, window_bounds = array<i64: 1, 128, 128>}, {transform_indices = @transform_4, window_bounds = array<i64: 1, 128, 128>}, {transform_indices = @transform_5, window_bounds = array<i64: 1, 1, 128>}, {transform_indices = @transform_6, window_bounds = array<i64: 2000, 128>}]} {
    %get3A = arith.constant 0 : index
    %get3A_0 = arith.constant 0 : index
    %get3A_1 = vector.load %arg3[%get3A, %get3A_0] : memref<2000x8xf32, #tpu.memory_space<vmem>>, vector<2000x1xf32>
    %max3A = arith.constant 1.000000e+00 : f32
    %max3A_2 = vector.broadcast %max3A : f32 to vector<2000x1xf32>
    %max3A_3 = arith.maximumf %get3A_1, %max3A_2 : vector<2000x1xf32>
    %div3A = arith.constant 1.000000e+00 : f32
    %div3A_4 = vector.broadcast %div3A : f32 to vector<2000x1xf32>
    %div3A_5 = arith.divf %div3A_4, %max3A_3 : vector<2000x1xf32>
    %get3A_6 = arith.constant 0 : index
    %get3A_7 = arith.constant 0 : index
    %get3A_8 = vector.load %arg1[%get3A_6, %get3A_7] : memref<2000x128xf32, #tpu.memory_space<vmem>>, vector<2000x128xf32>
    %get3A_9 = arith.constant 0 : index
    %get3A_10 = arith.constant 0 : index
    %get3A_11 = arith.constant 0 : index
    %get3A_12 = vector.load %arg4[%get3A_9, %get3A_10, %get3A_11] : memref<1x128x128xf32, #tpu.memory_space<vmem>>, vector<1x128x128xf32>
    %get3A_13 = vector.shape_cast %get3A_12 : vector<1x128x128xf32> to vector<128x128xf32>
    %dot_general3A = arith.constant dense<0.000000e+00> : vector<2000x128xf32>
    %dot_general3A_14 = tpu.matmul %get3A_8, %get3A_13, %dot_general3A {dimension_numbers = #tpu.dot_dimension_numbers<[1], [0], [0], [1], [0, 0, 1, 1], [], []>, transpose_lhs_hint = false} : vector<2000x128xf32>, vector<128x128xf32>, vector<2000x128xf32> -> vector<2000x128xf32>
    %get3A_15 = arith.constant 0 : index
    %get3A_16 = arith.constant 0 : index
    %get3A_17 = vector.load %arg2[%get3A_15, %get3A_16] : memref<2000x128xf32, #tpu.memory_space<vmem>>, vector<2000x128xf32>
    %mul3A = vector.broadcast %div3A_5 : vector<2000x1xf32> to vector<2000x128xf32>
    %mul3A_18 = arith.mulf %get3A_17, %mul3A : vector<2000x128xf32>
    %get3A_19 = arith.constant 0 : index
    %get3A_20 = arith.constant 0 : index
    %get3A_21 = arith.constant 0 : index
    %get3A_22 = vector.load %arg5[%get3A_19, %get3A_20, %get3A_21] : memref<1x128x128xf32, #tpu.memory_space<vmem>>, vector<1x128x128xf32>
    %get3A_23 = vector.shape_cast %get3A_22 : vector<1x128x128xf32> to vector<128x128xf32>
    %dot_general3A_24 = arith.constant dense<0.000000e+00> : vector<2000x128xf32>
    %dot_general3A_25 = tpu.matmul %mul3A_18, %get3A_23, %dot_general3A_24 {dimension_numbers = #tpu.dot_dimension_numbers<[1], [0], [0], [1], [0, 0, 1, 1], [], []>, transpose_lhs_hint = false} : vector<2000x128xf32>, vector<128x128xf32>, vector<2000x128xf32> -> vector<2000x128xf32>
    %add3A = arith.addf %dot_general3A_14, %dot_general3A_25 : vector<2000x128xf32>
    %get3A_26 = arith.constant 0 : index
    %get3A_27 = arith.constant 0 : index
    %get3A_28 = arith.constant 0 : index
    %get3A_29 = vector.load %arg6[%get3A_26, %get3A_27, %get3A_28] : memref<1x1x128xf32, #tpu.memory_space<vmem>>, vector<1x1x128xf32>
    %get3A_30 = vector.shape_cast %get3A_29 : vector<1x1x128xf32> to vector<1x128xf32>
    %add3A_31 = vector.broadcast %get3A_30 : vector<1x128xf32> to vector<2000x128xf32>
    %add3A_32 = arith.addf %add3A, %add3A_31 : vector<2000x128xf32>
    %swap3A = arith.constant 0 : index
    %swap3A_33 = arith.constant 0 : index
    %swap3A_34 = vector.load %arg7[%swap3A, %swap3A_33] : memref<2000x128xf32, #tpu.memory_space<vmem>>, vector<2000x128xf32>
    tpu.vector_store %arg7[%swap3A, %swap3A_33], %add3A_32 {strides = array<i32>} : memref<2000x128xf32, #tpu.memory_space<vmem>>, vector<2000x128xf32>,
    return
  }
  func.func @transform_0(%arg0: i32) -> (i32, i32) {
    %c0_i32 = arith.constant 0 : i32
    %c0_i32_0 = arith.constant 0 : i32
    return %arg0, %c0_i32 : i32, i32
  }
  func.func @transform_1(%arg0: i32) -> (i32, i32) {
    %c0_i32 = arith.constant 0 : i32
    %c0_i32_0 = arith.constant 0 : i32
    return %arg0, %c0_i32 : i32, i32
  }
  func.func @transform_2(%arg0: i32) -> (i32, i32) {
    %c0_i32 = arith.constant 0 : i32
    %c0_i32_0 = arith.constant 0 : i32
    return %arg0, %c0_i32 : i32, i32
  }
  func.func @transform_3(%arg0: i32) -> (i32, i32, i32) {
    %jit3A = arith.constant 5 : i32
    %div3A = arith.divsi %arg0, %jit3A : i32
    %sign3A = arith.constant 0 : i32
    %sign3A_0 = arith.cmpi sgt, %arg0, %sign3A : i32
    %sign3A_1 = arith.extui %sign3A_0 : i1 to i32
    %sign3A_2 = arith.constant 0 : i32
    %sign3A_3 = arith.cmpi slt, %arg0, %sign3A_2 : i32
    %sign3A_4 = arith.extui %sign3A_3 : i1 to i32
    %sign3A_5 = arith.subi %sign3A_1, %sign3A_4 : i32
    %sign3A_6 = arith.constant 0 : i32
    %sign3A_7 = arith.cmpi sgt, %jit3A, %sign3A_6 : i32
    %sign3A_8 = arith.extui %sign3A_7 : i1 to i32
    %sign3A_9 = arith.constant 0 : i32
    %sign3A_10 = arith.cmpi slt, %jit3A, %sign3A_9 : i32
    %sign3A_11 = arith.extui %sign3A_10 : i1 to i32
    %sign3A_12 = arith.subi %sign3A_8, %sign3A_11 : i32
    %ne3A = arith.cmpi ne, %sign3A_5, %sign3A_12 : i32
    %rem3A = arith.remsi %arg0, %jit3A : i32
    %ne3A_13 = arith.constant 0 : i32
    %ne3A_14 = arith.cmpi ne, %rem3A, %ne3A_13 : i32
    %and3A = arith.andi %ne3A, %ne3A_14 : i1
    %sub3A = arith.constant 1 : i32
    %sub3A_15 = arith.subi %div3A, %sub3A : i32
    %select_n3A = arith.select %and3A, %sub3A_15, %div3A : i32
    %c0_i32 = arith.constant 0 : i32
    %c0_i32_16 = arith.constant 0 : i32
    %c0_i32_17 = arith.constant 0 : i32
    return %select_n3A, %c0_i32, %c0_i32_16 : i32, i32, i32
  }
  func.func @transform_4(%arg0: i32) -> (i32, i32, i32) {
    %jit3A = arith.constant 5 : i32
    %div3A = arith.divsi %arg0, %jit3A : i32
    %sign3A = arith.constant 0 : i32
    %sign3A_0 = arith.cmpi sgt, %arg0, %sign3A : i32
    %sign3A_1 = arith.extui %sign3A_0 : i1 to i32
    %sign3A_2 = arith.constant 0 : i32
    %sign3A_3 = arith.cmpi slt, %arg0, %sign3A_2 : i32
    %sign3A_4 = arith.extui %sign3A_3 : i1 to i32
    %sign3A_5 = arith.subi %sign3A_1, %sign3A_4 : i32
    %sign3A_6 = arith.constant 0 : i32
    %sign3A_7 = arith.cmpi sgt, %jit3A, %sign3A_6 : i32
    %sign3A_8 = arith.extui %sign3A_7 : i1 to i32
    %sign3A_9 = arith.constant 0 : i32
    %sign3A_10 = arith.cmpi slt, %jit3A, %sign3A_9 : i32
    %sign3A_11 = arith.extui %sign3A_10 : i1 to i32
    %sign3A_12 = arith.subi %sign3A_8, %sign3A_11 : i32
    %ne3A = arith.cmpi ne, %sign3A_5, %sign3A_12 : i32
    %rem3A = arith.remsi %arg0, %jit3A : i32
    %ne3A_13 = arith.constant 0 : i32
    %ne3A_14 = arith.cmpi ne, %rem3A, %ne3A_13 : i32
    %and3A = arith.andi %ne3A, %ne3A_14 : i1
    %sub3A = arith.constant 1 : i32
    %sub3A_15 = arith.subi %div3A, %sub3A : i32
    %select_n3A = arith.select %and3A, %sub3A_15, %div3A : i32
    %c0_i32 = arith.constant 0 : i32
    %c0_i32_16 = arith.constant 0 : i32
    %c0_i32_17 = arith.constant 0 : i32
    return %select_n3A, %c0_i32, %c0_i32_16 : i32, i32, i32
  }
  func.func @transform_5(%arg0: i32) -> (i32, i32, i32) {
    %jit3A = arith.constant 5 : i32
    %div3A = arith.divsi %arg0, %jit3A : i32
    %sign3A = arith.constant 0 : i32
    %sign3A_0 = arith.cmpi sgt, %arg0, %sign3A : i32
    %sign3A_1 = arith.extui %sign3A_0 : i1 to i32
    %sign3A_2 = arith.constant 0 : i32
    %sign3A_3 = arith.cmpi slt, %arg0, %sign3A_2 : i32
    %sign3A_4 = arith.extui %sign3A_3 : i1 to i32
    %sign3A_5 = arith.subi %sign3A_1, %sign3A_4 : i32
    %sign3A_6 = arith.constant 0 : i32
    %sign3A_7 = arith.cmpi sgt, %jit3A, %sign3A_6 : i32
    %sign3A_8 = arith.extui %sign3A_7 : i1 to i32
    %sign3A_9 = arith.constant 0 : i32
    %sign3A_10 = arith.cmpi slt, %jit3A, %sign3A_9 : i32
    %sign3A_11 = arith.extui %sign3A_10 : i1 to i32
    %sign3A_12 = arith.subi %sign3A_8, %sign3A_11 : i32
    %ne3A = arith.cmpi ne, %sign3A_5, %sign3A_12 : i32
    %rem3A = arith.remsi %arg0, %jit3A : i32
    %ne3A_13 = arith.constant 0 : i32
    %ne3A_14 = arith.cmpi ne, %rem3A, %ne3A_13 : i32
    %and3A = arith.andi %ne3A, %ne3A_14 : i1
    %sub3A = arith.constant 1 : i32
    %sub3A_15 = arith.subi %div3A, %sub3A : i32
    %select_n3A = arith.select %and3A, %sub3A_15, %div3A : i32
    %c0_i32 = arith.constant 0 : i32
    %c0_i32_16 = arith.constant 0 : i32
    %c0_i32_17 = arith.constant 0 : i32
    return %select_n3A, %c0_i32, %c0_i32_16 : i32, i32, i32
  }
  func.func @transform_6(%arg0: i32) -> (i32, i32) {
    %c0_i32 = arith.constant 0 : i32
    %c0_i32_0 = arith.constant 0 : i32
    return %arg0, %c0_i32 : i32, i32
  }
}

module attributes {stable_mosaic.version = 14 : i64} {
  func.func @body(%arg0: i32, %arg1: memref<2048x128xf32, #tpu.memory_space<vmem>>, %arg2: memref<2048x128xf32, #tpu.memory_space<vmem>>, %arg3: memref<128x8xf32, #tpu.memory_space<vmem>>, %arg4: memref<1x8xf32, #tpu.memory_space<vmem>>, %arg5: memref<2048x8xf32, #tpu.memory_space<vmem>>) attributes {dimension_semantics = [#tpu.dimension_semantics<arbitrary>], iteration_bounds = array<i64: 26>, scalar_prefetch = 0 : i64, scratch_operands = 0 : i64, tpu.core_type = #tpu.core_type<tc>, window_params = [{transform_indices = @transform_0, window_bounds = array<i64: 2048, 128>}, {transform_indices = @transform_1, window_bounds = array<i64: 2048, 128>}, {pipeline_mode = #tpu.pipeline_mode<synchronous>, transform_indices = @transform_2, window_bounds = array<i64: 128, 8>}, {pipeline_mode = #tpu.pipeline_mode<synchronous>, transform_indices = @transform_3, window_bounds = array<i64: 1, 8>}, {transform_indices = @transform_4, window_bounds = array<i64: 2048, 8>}]} {
    %get3A = arith.constant 0 : index
    %get3A_0 = arith.constant 0 : index
    %get3A_1 = vector.load %arg1[%get3A, %get3A_0] : memref<2048x128xf32, #tpu.memory_space<vmem>>, vector<2048x128xf32>
    %get3A_2 = arith.constant 0 : index
    %get3A_3 = arith.constant 0 : index
    %get3A_4 = vector.load %arg2[%get3A_2, %get3A_3] : memref<2048x128xf32, #tpu.memory_space<vmem>>, vector<2048x128xf32>
    %mul3A = arith.mulf %get3A_1, %get3A_4 : vector<2048x128xf32>
    %get3A_5 = arith.constant 0 : index
    %get3A_6 = arith.constant 0 : index
    %get3A_7 = vector.load %arg3[%get3A_5, %get3A_6] : memref<128x8xf32, #tpu.memory_space<vmem>>, vector<128x8xf32>
    %dot_general3A = arith.constant dense<0.000000e+00> : vector<2048x8xf32>
    %dot_general3A_8 = tpu.matmul %mul3A, %get3A_7, %dot_general3A {dimension_numbers = #tpu.dot_dimension_numbers<[1], [0], [0], [1], [0, 0, 1, 1], [], []>, transpose_lhs_hint = false} : vector<2048x128xf32>, vector<128x8xf32>, vector<2048x8xf32> -> vector<2048x8xf32>
    %get3A_9 = arith.constant 0 : index
    %get3A_10 = arith.constant 0 : index
    %get3A_11 = vector.load %arg4[%get3A_9, %get3A_10] : memref<1x8xf32, #tpu.memory_space<vmem>>, vector<1x8xf32>
    %add3A = vector.broadcast %get3A_11 : vector<1x8xf32> to vector<2048x8xf32>
    %add3A_12 = arith.addf %dot_general3A_8, %add3A : vector<2048x8xf32>
    %swap3A = arith.constant 0 : index
    %swap3A_13 = arith.constant 0 : index
    %swap3A_14 = vector.load %arg5[%swap3A, %swap3A_13] : memref<2048x8xf32, #tpu.memory_space<vmem>>, vector<2048x8xf32>
    tpu.vector_store %arg5[%swap3A, %swap3A_13], %add3A_12 {strides = array<i32>} : memref<2048x8xf32, #tpu.memory_space<vmem>>, vector<2048x8xf32>,
    return
  }
  func.func @transform_0(%arg0: i32) -> (i32, i32) {
    %c0_i32 = arith.constant 0 : i32
    %c0_i32_0 = arith.constant 0 : i32
    return %arg0, %c0_i32 : i32, i32
  }
  func.func @transform_1(%arg0: i32) -> (i32, i32) {
    %c0_i32 = arith.constant 0 : i32
    %c0_i32_0 = arith.constant 0 : i32
    return %arg0, %c0_i32 : i32, i32
  }
  func.func @transform_2(%arg0: i32) -> (i32, i32) {
    %c0_i32 = arith.constant 0 : i32
    %c0_i32_0 = arith.constant 0 : i32
    %c0_i32_1 = arith.constant 0 : i32
    return %c0_i32, %c0_i32_0 : i32, i32
  }
  func.func @transform_3(%arg0: i32) -> (i32, i32) {
    %c0_i32 = arith.constant 0 : i32
    %c0_i32_0 = arith.constant 0 : i32
    %c0_i32_1 = arith.constant 0 : i32
    return %c0_i32, %c0_i32_0 : i32, i32
  }
  func.func @transform_4(%arg0: i32) -> (i32, i32) {
    %c0_i32 = arith.constant 0 : i32
    %c0_i32_0 = arith.constant 0 : i32
    return %arg0, %c0_i32 : i32, i32
  }
}

</mosaic_0001>

<sc_bundles>
// kernel: kernel.10.cloned.1.call-start
scs
__scs_entry_jumppad:
0x0: {  	(pc) =	sbr.rel $0x88, $3  }
0x1: {  	(tag) =	ssettag $0x0;
	lr =	simm.s32 $0x1  }
0x2: {  	[smem:$0x3F8B] =	sst lr;
	_ =	strace $0xD0000000  }
0x3: {  	_ = 	snop  }
0x4: {  	_ = 	snop  }
0x5: {  	_ = 	snop  }
0x6: {  	_ = 	snop  }
0x7: {  	_ = 	snop  }
__scs_overlays_trampoline_lowered:
0x8: {  	[smem:$0x3F9A] =	sst s0  }
0x9: {  	[smem:$0x3F9B] =	sst s1  }
0xa: {  	[smem:$0x3F9C] =	sst s2  }
0xb: {  	[smem:$0x3F9D] =	sst s3  }
0xc: {  	[smem:$0x3F9E] =	sst s4  }
0xd: {  	[smem:$0x3F9F] =	sst s5  }
0xe: {  	[smem:$0x3FA0] =	sst s6  }
0xf: {  	[smem:$0x3FA1] =	sst s7  }
0x10: {  	[smem:$0x3FA2] =	sst s8  }
0x11: {  	[smem:$0x3FA3] =	sst s9;
	s0 =	simm.s32 @!p0 $0x0  }
0x12: {  	s1 =	sld [smem:$0x3F89];
	s0 =	simm.s32 @p0 $0x1  }
0x13: {  	[smem:$0x3FA4] =	sst s0;
	s0 =	simm.s32 @!p1 $0x0  }
0x14: {  	s2 =	sld [smem:$0x3F88];
	s0 =	simm.s32 @p1 $0x1  }
0x15: {  	[smem:$0x3FA5] =	sst s0;
	s0 =	simm.s32 @!p2 $0x0  }
0x16: {  	s3 =	sld [smem:$0x3FDB];
	s0 =	simm.s32 @p2 $0x1  }
0x17: {  	s4 =	simm.s32 $0x1BF5;
	[smem:$0x3FA7] =	sst s0  }
0x18: {  	s0 =	sld [smem:$0x3F8A];
	_ =	swait.ge [sflag:s4], $0x0  }
0x19: {  	s7 =	sld [smem:$0x3F8B]  }
0x1a: {  	s8 =	sadd.s32 $0xFFFFE003, lr  }
0x1b: {  	s9 =	sadd.s32 $0xFFFFFEF7, lr;
	s5 =	simm.s32 $0xFFFFFFFF;
	p2 =	slt.u32 s8, $0xFFFFF086  }
0x1c: {  	p1 =	slt.u32 s9, $0xF7A;
	s5 =	simm.s32 @!p2 $0x0  }
0x1d: {  	s5 =	simm.s32 @p1 $0x1;
	p0 =	seq.s32 s7, s2  }
0x1e: {  	s7 =	smul.u32 @!p0 $0xF7A, s2;
	p2 =	seq.s32 @!p0 s5, $0x0  }
0x1f: {  	s9 =	smul.u32 $0xF7A, s1;
	s8 =	simm.s32 @!p0 $0x1BF5;
	p2 =	por !p2, p0  }
0x20: {  	[sflag:s8] =	ssyncset.s32 @!p0 $0xFFFFF086;
	s6 =	sadd.s32 @!p0 s3, s7;
	s7 =	simm.s32 @!p0 $0x108  }
0x21: {  	s3 =	sadd.s32 s3, s9;
	s6 =	sadd.s32 @!p0 $0x88, s6;
	s7 =	simm.s32 @p2 $0x1082  }
0x22: {  	[simem:s7], [sflag:s8] =	dma.local @!p0 [hbm:s6], $0xF7A  }
0x23: {  	s9 =	sor.u32 $0xD0000000, s2;
	s6 =	simm.s32 $0x108;
	_ =	swait.ge @!p0 [sflag:s8], $0x0  }
0x24: {  	s3 =	sadd.s32 $0x88, s3;
	s6 =	simm.s32 @!p1 $0x1082;
	[sflag:s4] =	ssyncset.s32 $0xFFFFF086  }
0x25: {  	[simem:s6], [sflag:s4] =	dma.local [hbm:s3], $0xF7A  }
0x26: {  	[smem:$0x3F8B] =	sst s1;
	(tag) =	ssettag s2;
	_ =	strace s9  }
0x27: {  	s1 =	sld [smem:$0x3F9B]  }
0x28: {  	s2 =	sld [smem:$0x3F9C]  }
0x29: {  	s4 =	sld [smem:$0x3F9E]  }
0x2a: {  	p0 =	seq.s32 s5, $0x0;
	s5 =	sld [smem:$0x3F9F]  }
0x2b: {  	s6 =	sld [smem:$0x3FA0]  }
0x2c: {  	s7 =	sld [smem:$0x3FA1]  }
0x2d: {  	s3 =	simm.s32 $0x108;
	s8 =	sld [smem:$0x3FA2]  }
0x2e: {  	s3 =	simm.s32 @!p0 $0x1082;
	s9 =	sld [smem:$0x3FA3]  }
0x2f: {  	lr =	sadd.s32 s0, s3;
	s0 =	sld [smem:$0x3F9A]  }
0x30: {  	s3 =	sld [smem:$0x3F9D]  }
0x31: {  	[smem:$0x3FA6] =	sst s10  }
0x32: {  	s10 =	sld [smem:$0x3FA4];
	_ =	sdelay $0x3  }
0x33: {  	p0 =	seq.s32 s10, $0x1;
	s10 =	sld [smem:$0x3FA6];
	_ =	sdelay $0x3  }
0x34: {  	[smem:$0x3FA6] =	sst s10  }
0x35: {  	s10 =	sld [smem:$0x3FA5];
	_ =	sdelay $0x3  }
0x36: {  	p1 =	seq.s32 s10, $0x1;
	s10 =	sld [smem:$0x3FA6];
	_ =	sdelay $0x3  }
0x37: {  	[smem:$0x3FA6] =	sst s10  }
0x38: {  	s10 =	sld [smem:$0x3FA7]  }
0x39: {  	_ = 	snop;
	(pc) =	sbr.ind lr, $3  }
0x3a: {  	_ = 	snop  }
0x3b: {  	_ = 	snop  }
0x3c: {  	p2 =	seq.s32 s10, $0x1;
	s10 =	sld [smem:$0x3FA6]  }
0x3d: {  	_ =	shalt  }
0x3e: {  	_ =	shalt  }
0x3f: {  	_ =	shalt  }
0x40: {  	_ =	shalt  }
0x41: {  	_ =	shalt  }
0x42: {  	_ =	shalt  }
0x43: {  	_ =	shalt  }
0x44: {  	_ =	shalt  }
0x45: {  	_ =	shalt  }
0x46: {  	_ =	shalt  }
0x47: {  	_ =	shalt  }
0x48: {  	_ =	shalt  }
0x49: {  	_ =	shalt  }
0x4a: {  	_ =	shalt  }
0x4b: {  	_ =	shalt  }
0x4c: {  	_ =	shalt  }
0x4d: {  	_ =	shalt  }
0x4e: {  	_ =	shalt  }
0x4f: {  	_ =	shalt  }
0x50: {  	_ =	shalt  }
0x51: {  	_ =	shalt  }
0x52: {  	_ =	shalt  }
0x53: {  	_ =	shalt  }
0x54: {  	_ =	shalt  }
0x55: {  	_ =	shalt  }
0x56: {  	_ =	shalt  }
0x57: {  	_ =	shalt  }
0x58: {  	_ =	shalt  }
0x59: {  	_ =	shalt  }
0x5a: {  	_ =	shalt  }
0x5b: {  	_ =	shalt  }
0x5c: {  	_ =	shalt  }
0x5d: {  	_ =	shalt  }
0x5e: {  	_ =	shalt  }
0x5f: {  	_ =	shalt  }
0x60: {  	_ =	shalt  }
0x61: {  	_ =	shalt  }
0x62: {  	_ =	shalt  }
0x63: {  	_ =	shalt  }
0x64: {  	_ =	shalt  }
0x65: {  	_ =	shalt  }
0x66: {  	_ =	shalt  }
0x67: {  	_ =	shalt  }
0x68: {  	_ =	shalt  }
0x69: {  	_ =	shalt  }
0x6a: {  	_ =	shalt  }
0x6b: {  	_ =	shalt  }
0x6c: {  	_ =	shalt  }
0x6d: {  	_ =	shalt  }
0x6e: {  	_ =	shalt  }
0x6f: {  	_ =	shalt  }
0x70: {  	_ =	shalt  }
0x71: {  	_ =	shalt  }
0x72: {  	_ =	shalt  }
0x73: {  	_ =	shalt  }
0x74: {  	_ =	shalt  }
0x75: {  	_ =	shalt  }
0x76: {  	_ =	shalt  }
0x77: {  	_ =	shalt  }
0x78: {  	_ =	shalt  }
0x79: {  	_ =	shalt  }
0x7a: {  	_ =	shalt  }
0x7b: {  	_ =	shalt  }
0x7c: {  	_ =	shalt  }
0x7d: {  	_ =	shalt  }
0x7e: {  	_ =	shalt  }
0x7f: {  	_ =	shalt  }
0x80: {  	_ =	shalt  }
0x81: {  	_ =	shalt  }
0x82: {  	_ =	shalt  }
0x83: {  	_ =	shalt  }
0x84: {  	_ =	shalt  }
0x85: {  	_ =	shalt  }
0x86: {  	_ =	shalt  }
0x87: {  	_ =	shalt  }
.Lfunc_end0:
.L_simem_size_0:
called_computation_lowered:
.L_overlay_start_0:
0x88: {  	s2 =	sld [smem:$0x3FD9]  }
0x89: {  	s3 =	sld [smem:$0x3FFE];
	_ =	sdelay $0x1  }
0x8a: {  	s1 =	srdreg.scid  }
0x8b: {  	s0 =	sand.u32 $0x1, s1  }
0x8c: {  	s17 =	sshll.u32 s0, $0xA;
	s2 =	sadd.s32 s3, s2  }
0x8d: {  	s2 =	sadd.s32 s2, s17  }
0x8e: {  	[smem:$0x3FB2] =	sst s2  }
0x8f: {  	_ = 	snop  }
0x90: {  	s18 =	sld [smem:$0x3FD0];
	(tm) =	ssettm $0x1  }
0x91: {  	s19 =	sld [smem:$0x3FFB];
	_ =	sdelay $0x3  }
0x92: {  	_ =	strace s19  }
0x93: {  	s2 =	sld [smem:$0x3FFC];
	_ =	sdelay $0x3  }
0x94: {  	_ =	strace s2  }
0x95: {  	s2 =	sld [smem:$0x3FFD];
	_ =	sdelay $0x3  }
0x96: {  	_ =	strace s2  }
0x97: {  	_ =	strace $0x8FFFFFFF  }
0x98: {  	s20 =	sld [smem:$0x3FDB];
	_ =	sdelay $0x1  }
0x99: {  	s4 =	simm.s32 $_scs_section_size  }
0x9a: {  	s5 =	simm.s32 $_size__tile_overlayer_lowered;
	s6 =	simm.s32 $_tile_overlayer_lowered  }
0x9b: {  	s7 =	simm.s32 $0x1BFF;
	s21 =	sshll.u32 s6, $0x1;
	s4 =	sadd.s32 s4, s20  }
0x9c: {  	s22 =	simm.s32 $0x0;
	s5 =	sshll.u32 s5, $0x1;
	s6 =	sadd.s32 s21, s4  }
0x9d: {  	[timem:s22], [sflag:s7] =	dma.local [hbm:s6], s5  }
0x9e: {  	_ =	swait.ge [sflag:s7], s5  }
0x9f: {  	s5 =	ssub.s32 $0x0, s5;
	[sflag:s7] =	ssyncset.done $0x0  }
0xa0: {  	[sflag:s7] =	ssyncadd.s32 s5;
	_ =	sdelay $0x1  }
0xa1: {  	s23 =	simm.s32 $0x1B8B  }
0xa2: {  	_ =	swait.ge [sflag:s23], $0x1  }
0xa3: {  	[sflag:s23] =	ssyncset.done $0x0  }
0xa4: {  	[sflag:s23] =	ssyncadd.s32 $0xFFFFFFFF  }
0xa5: {  	s5 =	sld [smem:$0x0]  }
0xa6: {  	s6 =	sand.u32 $0xFFFFFFFE, s1  }
0xa7: {  	p0 =	sne.s32 s1, s6  }
0xa8: {  	s6 =	sshll.u32 @p0 s6, $0xE  }
0xa9: {  	s6 =	sadd.s32 @p0 $0x11B8D, s6;
	s7 =	sshll.u32 @p0 s5, $0x11  }
0xaa: {  	s6 =	sor.u32 @p0 s7, s6  }
0xab: {  	[sflag:s6] =	ssyncadd.remote.s32 @p0 $0x1;
	_ =	sdelay $0x1  }
0xac: {  	s6 =	simm.s32 @p0 $0x1B8D  }
0xad: {  	_ =	swait.eq @p0 [sflag:s6], $0x1  }
0xae: {  	[sflag:s6] =	ssyncadd.s32 @p0 $0xFFFFFFFF  }
0xaf: {  	s7 =	sshll.u32 @!p0 s1, $0xE  }
0xb0: {  	s7 =	sor.u32 @!p0 $0x4000, s7;
	s6 =	simm.s32 @!p0 $0x1B8D  }
0xb1: {  	s5 =	sshll.u32 @!p0 s5, $0x11;
	s7 =	sadd.s32 @!p0 $0x11B8D, s7;
	_ =	swait.eq @!p0 [sflag:s6], $0x1  }
0xb2: {  	s5 =	sor.u32 @!p0 s5, s7;
	[sflag:s6] =	ssyncadd.s32 @!p0 $0xFFFFFFFF  }
0xb3: {  	s25 =	simm.s32 $0x1B8E;
	s24 =	sld [smem:$0x3FFE];
	[sflag:s5] =	ssyncadd.remote.s32 @!p0 $0x1  }
0xb4: {  	s26 =	simm.s32 $execute0_lowered;
	[smem:$0x3FD2] =	sst s25  }
0xb5: {  	s6 =	sshll.u32 s26, $0x1;
	_ =	strace $0x80000049;
	[dreg:$0x1] =	wrdreg $0xFFFFFFFF  }
0xb6: {  	s28 =	simm.s32 $_size_execute0_lowered;
	s4 =	sadd.s32 s4, s6;
	[dreg:$0x0] =	wrdreg $0x0  }
0xb7: {  	s6 =	sshll.u32 s28, $0x1;
	[dreg:$0x2] =	wrdreg s4  }
0xb8: {  	[dreg:$0x3] =	wrdreg s6  }
0xb9: {  	[dreg:$0x4] =	wrdreg $0xC0  }
0xba: {  	_ =	task [dreg:s22], $0x5FFFF  }
0xbb: {  	[dreg:$0x1] =	wrdreg $0xFFFFFFFF  }
0xbc: {  	[dreg:$0x0] =	wrdreg $0x60  }
0xbd: {  	[dreg:$0x2] =	wrdreg s24  }
0xbe: {  	[dreg:$0x3] =	wrdreg s18  }
0xbf: {  	[dreg:$0x4] =	wrdreg $0x42000  }
0xc0: {  	[dreg:$0x5] =	wrdreg $0x9  }
0xc1: {  	_ =	task.clear_ibuf [dreg:s22], $0x6FFFF;
	_ =	strace $0x90000049  }
0xc2: {  	s29 =	simm.s32 $0x9;
	_ =	strace $0x8000004B  }
0xc3: {  	_ =	swait.ge [sflag:s29], $0x1  }
0xc4: {  	[sflag:s29] =	ssyncadd.s32 $0xFFFFFFFF  }
0xc5: {  	_ =	strace $0x9000004B  }
0xc6: {  	_ =	sfence  }
0xc7: {  	s30 =	sld [smem:$0x0];
	_ =	sdelay $0x2  }
0xc8: {  	s31 =	sshll.u32 s1, $0xD;
	s1 =	sshrl.u32 s1, $0x2  }
0xc9: {  	s4 =	sand.u32 $0x4000, s31;
	s1 =	sadd.s32 s1, s30  }
0xca: {  	s0 =	sor.u32 s4, s0;
	s1 =	sshll.u32 s1, $0x11  }
0xcb: {  	s0 =	sor.u32 s1, s0  }
0xcc: {  	s0 =	sadd.s32 $0x8F2B, s0  }
0xcd: {  	[sflag:s0] =	ssyncadd.remote.s32 $0x1  }
0xce: {  	_ =	sfence.sel $0xFFFF  }
0xcf: {  	[dreg:$0x0] =	wrdreg $0xFFFFFFFF;
	(pc) =	sbr.abs _section_cstart, $3  }
0xd0: {  	[dreg:$0x1] =	wrdreg $0xFFFFFFFF  }
0xd1: {  	_ =	task.clear_ibuf [dreg:s22], $0x2FFFF;
	_ =	strace $0x9FFFFFFF  }
0xd2: {  	(tm) =	ssettm $0x7FFFFFFF  }
0xd3: {  	_ =	shalt  }
tec
execute0_lowered:
.L_overlay_start_1:
0x0: {  	(tag) =	ssettag $0x1  }
0x1: {  	s7 =	rddreg [dreg:$0x0]  }
0x2: {  	s1 =	rddreg [dreg:$0x1]  }
0x3: {  	s2 =	rddreg [dreg:$0x2]  }
0x4: {  	s0 =	rddreg [dreg:$0x3];
	s4 =	simm.s32 $0x0;
	s3 =	srdreg.scid  }
0x5: {  	s16 =	simm.s32 $0x200;
	s17 =	simm.s32 $0x80;
	s18 =	simm.s32 $0x100  }
0x6: {  	s19 =	simm.s32 $0x180;
	s20 =	simm.s32 $0x1;
	s8 =	sand.u32 $0x1, s3  }
0x7: {  	s21 =	simm.s32 $0x2;
	s3 =	stileid.u32;
	s9 =	smul.u32 $0x140000, s8  }
0x8: {  	s22 =	simm.s32 $0x0;
	[smem:$0x7FF] =	sst s4;
	s10 =	smul.u32 $0x14000, s3  }
0x9: {  	s5 =	sadd.s32 $0x53600, s7;
	s6 =	sadd.s32 $0xCAE00, s7;
	s25 =	smul.u32 $0x50000, s3  }
0xa: {  	_ =	strace $0x8000004A;
	s11 =	sshll.u32 s8, $0x4;
	s13 =	smul.u32 $0x9E000, s8  }
0xb: {  	s12 =	ssub.s32 $0x2, s8;
	s29 =	sshll.u32 s3, $0x6;
	s14 =	smul.u32 $0x9E00, s3  }
0xc: {  	s24 =	sor.u32 s3, s11;
	s26 =	sshrl.u32 s12, $0x1;
	s9 =	sadd.s32 s10, s9  }
0xd: {  	s10 =	smul.u32 $0x9E00, s24;
	s28 =	sshrl.u32 s25, $0x2;
	s12 =	ssub.s32 s12, s26  }
0xe: {  	s13 =	sadd.s32 s14, s13;
	s9 =	sshrl.u32 s9, $0x3;
	s15 =	sadd.s32 s28, s2  }
0xf: {  	s31 =	sadd.s32 $0x300, s13;
	s13 =	sadd.s32 $0x200, s13;
	s9 =	sadd.s32 s9, s7  }
0x10: {  	s7 =	sor.u32 $0x1C03, s29;
	s30 =	sor.u32 $0x100, s10;
	s10 =	sshrl.u32 s10, $0x3  }
0x11: {  	s14 =	sshrl.u32 s15, $0x3;
	s15 =	simm.s32 $0x3;
	s8 =	sadd.s32 $0xCB600, s9  }
0x12: {  	s9 =	smax.u32 s12, $0x1;
	s11 =	sshrl.u32 s30, $0x3;
	s12 =	sshrl.u32 s31, $0x3  }
0x13: {  	s10 =	sadd.s32 s5, s10;
	s11 =	sadd.s32 s5, s11;
	s12 =	sadd.s32 s12, s5  }
.LBB2_1:
0x14: {  	[spmem:s14], [sflag:s7] =	dma.local [hbm:s1], $0x2800  }
0x15: {  	_ =	swait.ge [sflag:s15], $0x2800  }
0x16: {  	[sflag:s15] =	ssyncset.done $0x0  }
0x17: {  	[sflag:s15] =	ssyncadd.s32 $0xFFFFD800  }
0x18: {  	[tilespmem:s16], [sflag:$0x3] =	stream.linear.gather [hbm4b:s6+s4], $0x4000, $0x38;
	[tilespmem:$0x18200] =	vst v63  }
0x19: {  	_ =	swait.ge [sflag:s15], $0x4000  }
0x1a: {  	[sflag:s15] =	ssyncset.done $0x0  }
0x1b: {  	[sflag:s15] =	ssyncadd.s32 $0xFFFFC000  }
0x1c: {  	[bflag:$0x0] =	sbarrier.arrive $0xFFFF  }
0x1d: {  	[tilespmem:s4], [sflag:$0x3] =	stream.linear.gather [hbm4b:s10+s4], $0x100, $0x38;
	[tilespmem:$0x18200] =	vst v63  }
0x1e: {  	_ =	swait.ge [sflag:s15], $0x100  }
0x1f: {  	[sflag:s15] =	ssyncset.done $0x0  }
0x20: {  	[sflag:s15] =	ssyncadd.s32 $0xFFFFFF00  }
0x21: {  	[spmem:s2] =	stream.indirect.scatter.add.f32 [tilespmem:s16], [sflag:$0x1], $0x80, s17, s17, $0xb8;
	[tilespmem:$0x18200] =	vst v63  }
0x22: {  	_ = 	snop  }
0x23: {  	[tilespmem:s18], [sflag:$0x3] =	stream.linear.gather [hbm4b:s11+s4], $0x100, $0x38;
	[tilespmem:$0x18200] =	vst v63  }
0x24: {  	_ =	swait.ge [sflag:s15], $0x100  }
0x25: {  	[sflag:s15] =	ssyncset.done $0x0  }
0x26: {  	[sflag:s15] =	ssyncadd.s32 $0xFFFFFF00  }
0x27: {  	[spmem:s2] =	stream.indirect.scatter.add.f32 [tilespmem:s16], [sflag:$0x2], $0x80, s19, s17, $0xb8;
	[tilespmem:$0x18200] =	vst v63  }
0x28: {  	_ =	swait.ge [sflag:s20], $0x4000  }
0x29: {  	s23 =	sshrl.u32 s13, $0x3;
	[sflag:s20] =	ssyncset.done $0x0  }
0x2a: {  	s23 =	sadd.s32 s5, s23;
	[sflag:s20] =	ssyncadd.s32 $0xFFFFC000  }
0x2b: {  	[tilespmem:s4], [sflag:$0x3] =	stream.linear.gather [hbm4b:s23+s4], $0x100, $0x38;
	[tilespmem:$0x18200] =	vst v63  }
0x2c: {  	_ =	swait.ge [sflag:s15], $0x100  }
0x2d: {  	[sflag:s15] =	ssyncset.done $0x0  }
0x2e: {  	[sflag:s15] =	ssyncadd.s32 $0xFFFFFF00  }
0x2f: {  	[spmem:s2] =	stream.indirect.scatter.add.f32 [tilespmem:s16], [sflag:$0x1], $0x80, s17, s17, $0xb8;
	[tilespmem:$0x18200] =	vst v63  }
0x30: {  	_ =	swait.ge [sflag:s21], $0x4000  }
0x31: {  	[sflag:s21] =	ssyncset.done $0x0  }
0x32: {  	s31 =	sadd.s32 $0x0, s12;
	[sflag:s21] =	ssyncadd.s32 $0xFFFFC000  }
0x33: {  	[tilespmem:s18], [sflag:$0x3] =	stream.linear.gather [hbm4b:s31+s4], $0x100, $0x38;
	[tilespmem:$0x18200] =	vst v63  }
0x34: {  	_ =	swait.ge [sflag:s15], $0x100  }
0x35: {  	[sflag:s15] =	ssyncset.done $0x0  }
0x36: {  	s24 =	sadd.s32 $0x200, s13;
	s23 =	simm.s32 $0x40;
	[sflag:s15] =	ssyncadd.s32 $0xFFFFFF00  }
.LBB2_2:
0x37: {  	[spmem:s2] =	stream.indirect.scatter.add.f32 [tilespmem:s16], [sflag:$0x2], $0x80, s19, s17, $0xb8;
	[tilespmem:$0x18200] =	vst v63  }
0x38: {  	s25 =	smov.u32 s23  }
0x39: {  	p0 =	sne.s32 s23, $0x1340;
	s23 =	sadd.s32 $0x40, s23;
	_ =	swait.ge [sflag:s20], $0x4000  }
0x3a: {  	s26 =	sshrl.u32 s24, $0x3;
	[sflag:s20] =	ssyncset.done $0x0  }
0x3b: {  	s26 =	sadd.s32 s5, s26;
	[sflag:s20] =	ssyncadd.s32 $0xFFFFC000  }
0x3c: {  	[tilespmem:s4], [sflag:$0x3] =	stream.linear.gather [hbm4b:s26+s4], $0x100, $0x38;
	[tilespmem:$0x18200] =	vst v63  }
0x3d: {  	_ =	swait.ge [sflag:s15], $0x100  }
0x3e: {  	[sflag:s15] =	ssyncset.done $0x0  }
0x3f: {  	[sflag:s15] =	ssyncadd.s32 $0xFFFFFF00  }
0x40: {  	[spmem:s2] =	stream.indirect.scatter.add.f32 [tilespmem:s16], [sflag:$0x1], $0x80, s17, s17, $0xb8;
	[tilespmem:$0x18200] =	vst v63  }
0x41: {  	_ =	swait.ge [sflag:s21], $0x4000  }
0x42: {  	[sflag:s21] =	ssyncset.done $0x0  }
.Ltmp0:
0x43: {  	s25 =	sadd.s32 s25, s12;
	[sflag:s21] =	ssyncadd.s32 $0xFFFFC000;
	(pc) =	sbr.rel @p0 .LBB2_2-.Ltmp0, $4  }
0x44: {  	[tilespmem:s18], [sflag:$0x3] =	stream.linear.gather [hbm4b:s25+s4], $0x100, $0x38;
	[tilespmem:$0x18200] =	vst v63  }
0x45: {  	_ =	swait.ge [sflag:s15], $0x100  }
0x46: {  	[sflag:s15] =	ssyncset.done $0x0  }
0x47: {  	s24 =	sadd.s32 $0x200, s24;
	[sflag:s15] =	ssyncadd.s32 $0xFFFFFF00  }
0x48: {  	[spmem:s2] =	stream.indirect.scatter.add.f32 [tilespmem:s16], [sflag:$0x2], $0x80, s19, s17, $0xb8;
	[tilespmem:$0x18200] =	vst v63  }
0x49: {  	_ =	swait.ge [sflag:s20], $0x4000  }
0x4a: {  	[sflag:s20] =	ssyncset.done $0x0  }
0x4b: {  	[sflag:s20] =	ssyncadd.s32 $0xFFFFC000  }
0x4c: {  	_ =	swait.ge [sflag:s21], $0x4000  }
0x4d: {  	s22 =	sadd.s32 $0x1, s22;
	[sflag:s21] =	ssyncset.done $0x0  }
0x4e: {  	p0 =	sne.s32 s22, s9;
	[sflag:s21] =	ssyncadd.s32 $0xFFFFC000  }
.Ltmp1:
0x4f: {  	[bflag:$0x0] =	sbarrier.arrive $0xFFFF;
	(pc) =	sbr.rel @p0 .LBB2_1-.Ltmp1, $4  }
0x50: {  	[hbm:s8], [sflag:s7] =	dma.local [spmem:s14], $0x2800  }
0x51: {  	_ =	swait.ge [sflag:s15], $0x2800  }
0x52: {  	[sflag:s15] =	ssyncset.done $0x0  }
0x53: {  	[sflag:s15] =	ssyncadd.s32 $0xFFFFD800  }
0x54: {  	_ =	sfence.sel $0x180000  }
0x55: {  	[bflag:$0x0] =	sbarrier.arrive $0xFFFF  }
0x56: {  	p0 =	sne.s32 s3, $0x0;
	_ =	strace $0x9000004A  }
0x57: {  	s0 =	sadd.s32 @!p0 $0x100000, s0;
	[bflag:$0x2] =	sbarrier.arrive $0xFFFF  }
0x58: {  	[sflag:s0] =	ssyncadd.tile.s32 @!p0 $0x1;
	_ =	shalt  }
.Lfunc_end2:
_tile_overlayer_lowered:
.L_overlay_start_2:
0x59: {  	(tag) =	ssettag $0x2  }
0x5a: {  	s0 =	rddreg [dreg:$0x0];
	s2 =	stileid.u32  }
0x5b: {  	s1 =	rddreg [dreg:$0x1];
	p0 =	sne.s32 s2, $0x0  }
0x5c: {  	s3 =	rddreg [dreg:$0x2];
	[bflag:$0x3] =	sbarrier.arrive $0xFFFF;
	s2 =	simm.s32 @!p0 $0x1C03  }
0x5d: {  	[timem:s3], [sflag:s2] =	dma.local @!p0 [hbm:s0], s1  }
0x5e: {  	s0 =	simm.s32 @!p0 $0x3  }
0x5f: {  	_ =	swait.ge @!p0 [sflag:s0], s1  }
0x60: {  	s1 =	ssub.s32 @!p0 $0x0, s1;
	[sflag:s0] =	ssyncset.done @!p0 $0x0  }
0x61: {  	[sflag:s0] =	ssyncadd.s32 @!p0 s1  }
0x62: {  	[bflag:$0x3] =	sbarrier.arrive $0xFFFF  }
0x63: {  	_ =	shalt  }

// kernel: kernel.13.cloned.1.call-start
scs
__scs_entry_jumppad:
0x0: {  	(pc) =	sbr.rel $0x88, $3  }
0x1: {  	(tag) =	ssettag $0x0;
	lr =	simm.s32 $0x1  }
0x2: {  	[smem:$0x3F8B] =	sst lr;
	_ =	strace $0xD0000000  }
0x3: {  	_ = 	snop  }
0x4: {  	_ = 	snop  }
0x5: {  	_ = 	snop  }
0x6: {  	_ = 	snop  }
0x7: {  	_ = 	snop  }
__scs_overlays_trampoline_lowered:
0x8: {  	[smem:$0x3F9A] =	sst s0  }
0x9: {  	[smem:$0x3F9B] =	sst s1  }
0xa: {  	[smem:$0x3F9C] =	sst s2  }
0xb: {  	[smem:$0x3F9D] =	sst s3  }
0xc: {  	[smem:$0x3F9E] =	sst s4  }
0xd: {  	[smem:$0x3F9F] =	sst s5  }
0xe: {  	[smem:$0x3FA0] =	sst s6  }
0xf: {  	[smem:$0x3FA1] =	sst s7  }
0x10: {  	[smem:$0x3FA2] =	sst s8  }
0x11: {  	[smem:$0x3FA3] =	sst s9;
	s0 =	simm.s32 @!p0 $0x0  }
0x12: {  	s1 =	sld [smem:$0x3F89];
	s0 =	simm.s32 @p0 $0x1  }
0x13: {  	[smem:$0x3FA4] =	sst s0;
	s0 =	simm.s32 @!p1 $0x0  }
0x14: {  	s2 =	sld [smem:$0x3F88];
	s0 =	simm.s32 @p1 $0x1  }
0x15: {  	[smem:$0x3FA5] =	sst s0;
	s0 =	simm.s32 @!p2 $0x0  }
0x16: {  	s3 =	sld [smem:$0x3FDB];
	s0 =	simm.s32 @p2 $0x1  }
0x17: {  	s4 =	simm.s32 $0x1BF5;
	[smem:$0x3FA7] =	sst s0  }
0x18: {  	s0 =	sld [smem:$0x3F8A];
	_ =	swait.ge [sflag:s4], $0x0  }
0x19: {  	s7 =	sld [smem:$0x3F8B]  }
0x1a: {  	s8 =	sadd.s32 $0xFFFFE003, lr  }
0x1b: {  	s9 =	sadd.s32 $0xFFFFFEF7, lr;
	s5 =	simm.s32 $0xFFFFFFFF;
	p2 =	slt.u32 s8, $0xFFFFF086  }
0x1c: {  	p1 =	slt.u32 s9, $0xF7A;
	s5 =	simm.s32 @!p2 $0x0  }
0x1d: {  	s5 =	simm.s32 @p1 $0x1;
	p0 =	seq.s32 s7, s2  }
0x1e: {  	s7 =	smul.u32 @!p0 $0xF7A, s2;
	p2 =	seq.s32 @!p0 s5, $0x0  }
0x1f: {  	s9 =	smul.u32 $0xF7A, s1;
	s8 =	simm.s32 @!p0 $0x1BF5;
	p2 =	por !p2, p0  }
0x20: {  	[sflag:s8] =	ssyncset.s32 @!p0 $0xFFFFF086;
	s6 =	sadd.s32 @!p0 s3, s7;
	s7 =	simm.s32 @!p0 $0x108  }
0x21: {  	s3 =	sadd.s32 s3, s9;
	s6 =	sadd.s32 @!p0 $0x88, s6;
	s7 =	simm.s32 @p2 $0x1082  }
0x22: {  	[simem:s7], [sflag:s8] =	dma.local @!p0 [hbm:s6], $0xF7A  }
0x23: {  	s9 =	sor.u32 $0xD0000000, s2;
	s6 =	simm.s32 $0x108;
	_ =	swait.ge @!p0 [sflag:s8], $0x0  }
0x24: {  	s3 =	sadd.s32 $0x88, s3;
	s6 =	simm.s32 @!p1 $0x1082;
	[sflag:s4] =	ssyncset.s32 $0xFFFFF086  }
0x25: {  	[simem:s6], [sflag:s4] =	dma.local [hbm:s3], $0xF7A  }
0x26: {  	[smem:$0x3F8B] =	sst s1;
	(tag) =	ssettag s2;
	_ =	strace s9  }
0x27: {  	s1 =	sld [smem:$0x3F9B]  }
0x28: {  	s2 =	sld [smem:$0x3F9C]  }
0x29: {  	s4 =	sld [smem:$0x3F9E]  }
0x2a: {  	p0 =	seq.s32 s5, $0x0;
	s5 =	sld [smem:$0x3F9F]  }
0x2b: {  	s6 =	sld [smem:$0x3FA0]  }
0x2c: {  	s7 =	sld [smem:$0x3FA1]  }
0x2d: {  	s3 =	simm.s32 $0x108;
	s8 =	sld [smem:$0x3FA2]  }
0x2e: {  	s3 =	simm.s32 @!p0 $0x1082;
	s9 =	sld [smem:$0x3FA3]  }
0x2f: {  	lr =	sadd.s32 s0, s3;
	s0 =	sld [smem:$0x3F9A]  }
0x30: {  	s3 =	sld [smem:$0x3F9D]  }
0x31: {  	[smem:$0x3FA6] =	sst s10  }
0x32: {  	s10 =	sld [smem:$0x3FA4];
	_ =	sdelay $0x3  }
0x33: {  	p0 =	seq.s32 s10, $0x1;
	s10 =	sld [smem:$0x3FA6];
	_ =	sdelay $0x3  }
0x34: {  	[smem:$0x3FA6] =	sst s10  }
0x35: {  	s10 =	sld [smem:$0x3FA5];
	_ =	sdelay $0x3  }
0x36: {  	p1 =	seq.s32 s10, $0x1;
	s10 =	sld [smem:$0x3FA6];
	_ =	sdelay $0x3  }
0x37: {  	[smem:$0x3FA6] =	sst s10  }
0x38: {  	s10 =	sld [smem:$0x3FA7]  }
0x39: {  	_ = 	snop;
	(pc) =	sbr.ind lr, $3  }
0x3a: {  	_ = 	snop  }
0x3b: {  	_ = 	snop  }
0x3c: {  	p2 =	seq.s32 s10, $0x1;
	s10 =	sld [smem:$0x3FA6]  }
0x3d: {  	_ =	shalt  }
0x3e: {  	_ =	shalt  }
0x3f: {  	_ =	shalt  }
0x40: {  	_ =	shalt  }
0x41: {  	_ =	shalt  }
0x42: {  	_ =	shalt  }
0x43: {  	_ =	shalt  }
0x44: {  	_ =	shalt  }
0x45: {  	_ =	shalt  }
0x46: {  	_ =	shalt  }
0x47: {  	_ =	shalt  }
0x48: {  	_ =	shalt  }
0x49: {  	_ =	shalt  }
0x4a: {  	_ =	shalt  }
0x4b: {  	_ =	shalt  }
0x4c: {  	_ =	shalt  }
0x4d: {  	_ =	shalt  }
0x4e: {  	_ =	shalt  }
0x4f: {  	_ =	shalt  }
0x50: {  	_ =	shalt  }
0x51: {  	_ =	shalt  }
0x52: {  	_ =	shalt  }
0x53: {  	_ =	shalt  }
0x54: {  	_ =	shalt  }
0x55: {  	_ =	shalt  }
0x56: {  	_ =	shalt  }
0x57: {  	_ =	shalt  }
0x58: {  	_ =	shalt  }
0x59: {  	_ =	shalt  }
0x5a: {  	_ =	shalt  }
0x5b: {  	_ =	shalt  }
0x5c: {  	_ =	shalt  }
0x5d: {  	_ =	shalt  }
0x5e: {  	_ =	shalt  }
0x5f: {  	_ =	shalt  }
0x60: {  	_ =	shalt  }
0x61: {  	_ =	shalt  }
0x62: {  	_ =	shalt  }
0x63: {  	_ =	shalt  }
0x64: {  	_ =	shalt  }
0x65: {  	_ =	shalt  }
0x66: {  	_ =	shalt  }
0x67: {  	_ =	shalt  }
0x68: {  	_ =	shalt  }
0x69: {  	_ =	shalt  }
0x6a: {  	_ =	shalt  }
0x6b: {  	_ =	shalt  }
0x6c: {  	_ =	shalt  }
0x6d: {  	_ =	shalt  }
0x6e: {  	_ =	shalt  }
0x6f: {  	_ =	shalt  }
0x70: {  	_ =	shalt  }
0x71: {  	_ =	shalt  }
0x72: {  	_ =	shalt  }
0x73: {  	_ =	shalt  }
0x74: {  	_ =	shalt  }
0x75: {  	_ =	shalt  }
0x76: {  	_ =	shalt  }
0x77: {  	_ =	shalt  }
0x78: {  	_ =	shalt  }
0x79: {  	_ =	shalt  }
0x7a: {  	_ =	shalt  }
0x7b: {  	_ =	shalt  }
0x7c: {  	_ =	shalt  }
0x7d: {  	_ =	shalt  }
0x7e: {  	_ =	shalt  }
0x7f: {  	_ =	shalt  }
0x80: {  	_ =	shalt  }
0x81: {  	_ =	shalt  }
0x82: {  	_ =	shalt  }
0x83: {  	_ =	shalt  }
0x84: {  	_ =	shalt  }
0x85: {  	_ =	shalt  }
0x86: {  	_ =	shalt  }
0x87: {  	_ =	shalt  }
.Lfunc_end0:
.L_simem_size_0:
called_computation.1_lowered:
.L_overlay_start_0:
0x88: {  	s2 =	sld [smem:$0x3FD9]  }
0x89: {  	s3 =	sld [smem:$0x3FFE];
	_ =	sdelay $0x1  }
0x8a: {  	s1 =	srdreg.scid  }
0x8b: {  	s0 =	sand.u32 $0x1, s1  }
0x8c: {  	s17 =	sshll.u32 s0, $0xA;
	s2 =	sadd.s32 s3, s2  }
0x8d: {  	s2 =	sadd.s32 s2, s17  }
0x8e: {  	[smem:$0x3FB2] =	sst s2  }
0x8f: {  	_ = 	snop  }
0x90: {  	s2 =	sld [smem:$0x3FD0];
	(tm) =	ssettm $0x1  }
0x91: {  	s18 =	sld [smem:$0x3FFB];
	_ =	sdelay $0x3  }
0x92: {  	_ =	strace s18  }
0x93: {  	s3 =	sld [smem:$0x3FFC];
	_ =	sdelay $0x3  }
0x94: {  	_ =	strace s3  }
0x95: {  	s3 =	sld [smem:$0x3FFD];
	_ =	sdelay $0x3  }
0x96: {  	_ =	strace s3  }
0x97: {  	_ =	strace $0x8FFFFFFF  }
0x98: {  	s19 =	sld [smem:$0x3FDB];
	_ =	sdelay $0x1  }
0x99: {  	s4 =	simm.s32 $_scs_section_size  }
0x9a: {  	s5 =	simm.s32 $_size__tile_overlayer_lowered;
	s6 =	simm.s32 $_tile_overlayer_lowered  }
0x9b: {  	s22 =	simm.s32 $0x1BFF;
	s21 =	sshll.u32 s6, $0x1;
	s3 =	sadd.s32 s4, s19  }
0x9c: {  	s7 =	simm.s32 $0x0;
	s20 =	sshll.u32 s5, $0x1;
	s5 =	sadd.s32 s21, s3  }
0x9d: {  	[timem:s7], [sflag:s22] =	dma.local [hbm:s5], s20  }
0x9e: {  	_ =	swait.ge [sflag:s22], s20  }
0x9f: {  	s4 =	ssub.s32 $0x0, s20;
	[sflag:s22] =	ssyncset.done $0x0  }
0xa0: {  	[sflag:s22] =	ssyncadd.s32 s4;
	_ =	sdelay $0x1  }
0xa1: {  	s23 =	simm.s32 $0x1B8B  }
0xa2: {  	_ =	swait.ge [sflag:s23], $0x1  }
0xa3: {  	[sflag:s23] =	ssyncset.done $0x0  }
0xa4: {  	s25 =	simm.s32 $0x1B8E;
	s24 =	sld [smem:$0x3FFE];
	[sflag:s23] =	ssyncadd.s32 $0xFFFFFFFF  }
0xa5: {  	s26 =	simm.s32 $execute0_lowered;
	[smem:$0x3FD2] =	sst s25  }
0xa6: {  	s5 =	sshll.u32 s26, $0x1;
	_ =	strace $0x80000046;
	[dreg:$0x1] =	wrdreg $0xFFFFFFFF  }
0xa7: {  	s28 =	simm.s32 $_size_execute0_lowered;
	s3 =	sadd.s32 s3, s5;
	[dreg:$0x0] =	wrdreg $0x0  }
0xa8: {  	s5 =	sshll.u32 s28, $0x1;
	[dreg:$0x2] =	wrdreg s3  }
0xa9: {  	[dreg:$0x3] =	wrdreg s5  }
0xaa: {  	[dreg:$0x4] =	wrdreg $0xC0  }
0xab: {  	_ =	task [dreg:s7], $0x5FFFF  }
0xac: {  	[dreg:$0x1] =	wrdreg $0xFFFFFFFF  }
0xad: {  	[dreg:$0x0] =	wrdreg $0x60  }
0xae: {  	[dreg:$0x2] =	wrdreg s24  }
0xaf: {  	[dreg:$0x3] =	wrdreg s2  }
0xb0: {  	[dreg:$0x4] =	wrdreg $0x82000  }
0xb1: {  	[dreg:$0x5] =	wrdreg $0xA  }
0xb2: {  	_ =	task.clear_ibuf [dreg:s7], $0x6FFFF;
	_ =	strace $0x90000046  }
0xb3: {  	s29 =	simm.s32 $0xA;
	_ =	strace $0x80000048  }
0xb4: {  	_ =	swait.ge [sflag:s29], $0x1  }
0xb5: {  	[sflag:s29] =	ssyncadd.s32 $0xFFFFFFFF  }
0xb6: {  	_ =	strace $0x90000048  }
0xb7: {  	_ =	sfence  }
0xb8: {  	s30 =	sld [smem:$0x0];
	_ =	sdelay $0x2  }
0xb9: {  	s31 =	sshll.u32 s1, $0xD;
	s1 =	sshrl.u32 s1, $0x2  }
0xba: {  	s3 =	sand.u32 $0x4000, s31;
	s1 =	sadd.s32 s1, s30  }
0xbb: {  	s0 =	sor.u32 s3, s0;
	s1 =	sshll.u32 s1, $0x11  }
0xbc: {  	s0 =	sor.u32 s1, s0  }
0xbd: {  	s0 =	sadd.s32 $0x8F2B, s0  }
0xbe: {  	[sflag:s0] =	ssyncadd.remote.s32 $0x1  }
0xbf: {  	_ =	sfence.sel $0xFFFF  }
0xc0: {  	[dreg:$0x0] =	wrdreg $0xFFFFFFFF;
	(pc) =	sbr.abs _section_cstart, $3  }
0xc1: {  	[dreg:$0x1] =	wrdreg $0xFFFFFFFF  }
0xc2: {  	_ =	task.clear_ibuf [dreg:s7], $0x2FFFF;
	_ =	strace $0x9FFFFFFF  }
0xc3: {  	(tm) =	ssettm $0x7FFFFFFF  }
tec
execute0_lowered:
.L_overlay_start_1:
0x0: {  	(tag) =	ssettag $0x1  }
0x1: {  	s7 =	rddreg [dreg:$0x0]  }
0x2: {  	s1 =	rddreg [dreg:$0x1]  }
0x3: {  	s2 =	rddreg [dreg:$0x2]  }
0x4: {  	s0 =	rddreg [dreg:$0x3]  }
0x5: {  	s4 =	simm.s32 $0x0;
	s3 =	srdreg.scid;
	s16 =	simm.s32 $0x80  }
0x6: {  	s17 =	simm.s32 $0x200;
	s18 =	simm.s32 $0x100;
	s19 =	simm.s32 $0x1  }
0x7: {  	s20 =	simm.s32 $0x4;
	s21 =	simm.s32 $0x4200;
	s8 =	sand.u32 $0x1, s3  }
0x8: {  	s22 =	simm.s32 $0x2;
	s3 =	stileid.u32;
	s9 =	smul.u32 $0x140000, s8  }
0x9: {  	s23 =	simm.s32 $0x180;
	s24 =	simm.s32 $0x3;
	s10 =	smul.u32 $0x14000, s3  }
0xa: {  	s25 =	simm.s32 $0x0;
	[smem:$0x7FF] =	sst s4;
	s12 =	smul.u32 $0x50000, s3  }
0xb: {  	s6 =	sshll.u32 s8, $0x4;
	s28 =	ssub.s32 $0x2, s8;
	s8 =	smul.u32 $0x9E000, s8  }
0xc: {  	s5 =	sadd.s32 $0x5400, s7;
	_ =	strace $0x80000047;
	s14 =	smul.u32 $0x9E00, s3  }
0xd: {  	s29 =	sshll.u32 s3, $0x6;
	s11 =	sor.u32 s3, s6;
	s6 =	sadd.s32 $0x53600, s7  }
0xe: {  	s13 =	sshrl.u32 s28, $0x1;
	s9 =	sadd.s32 s10, s9;
	s26 =	smul.u32 $0x9E00, s11  }
0xf: {  	s12 =	sshrl.u32 s12, $0x2;
	s11 =	ssub.s32 s28, s13;
	s30 =	sadd.s32 s14, s8  }
0x10: {  	s9 =	sshrl.u32 s9, $0x3;
	s15 =	sadd.s32 s12, s2;
	s31 =	sor.u32 $0x100, s30  }
0x11: {  	s12 =	sadd.s32 $0x200, s30;
	s9 =	sadd.s32 s9, s7;
	s10 =	sshrl.u32 s26, $0x3  }
0x12: {  	s7 =	sor.u32 $0x1C05, s29;
	s13 =	sshrl.u32 s31, $0x3;
	s14 =	sshrl.u32 s15, $0x3  }
0x13: {  	s15 =	simm.s32 $0x5;
	s8 =	sadd.s32 s6, s10;
	s9 =	sadd.s32 $0x7AE00, s9  }
0x14: {  	s10 =	smax.u32 s11, $0x1;
	s13 =	sadd.s32 s13, s6;
	s11 =	sadd.s32 $0x13A0, s8  }
.LBB2_1:
0x15: {  	[spmem:s14], [sflag:s7] =	dma.local [hbm:s1], $0x2800  }
0x16: {  	_ =	swait.ge [sflag:s15], $0x2800  }
0x17: {  	[sflag:s15] =	ssyncset.done $0x0  }
0x18: {  	[sflag:s15] =	ssyncadd.s32 $0xFFFFD800  }
0x19: {  	[bflag:$0x0] =	sbarrier.arrive $0xFFFF  }
0x1a: {  	[tilespmem:s4], [sflag:$0x5] =	stream.linear.gather [hbm4b:s8+s4], $0x100, $0x38;
	[tilespmem:$0x1C200] =	vst v63  }
0x1b: {  	_ =	swait.ge [sflag:s15], $0x100  }
0x1c: {  	[sflag:s15] =	ssyncset.done $0x0  }
0x1d: {  	[sflag:s15] =	ssyncadd.s32 $0xFFFFFF00  }
0x1e: {  	[tilespmem:s17], [sflag:$0x1] =	stream.indirect.gather [hbm4b:s5+s16], $0x80, s4, s16, $0xb8;
	[tilespmem:$0x1C200] =	vst v63  }
0x1f: {  	s26 =	sadd.s32 $0x0, s13  }
0x20: {  	[tilespmem:s18], [sflag:$0x4] =	stream.linear.gather [hbm4b:s26+s4], $0x100, $0x38;
	[tilespmem:$0x1C200] =	vst v63  }
0x21: {  	_ =	swait.ge [sflag:s19], $0x4000  }
0x22: {  	[sflag:s19] =	ssyncset.done $0x0  }
0x23: {  	[sflag:s19] =	ssyncadd.s32 $0xFFFFC000  }
0x24: {  	[spmem:s2] =	stream.indirect.scatter.add.f32 [tilespmem:s17], [sflag:$0x5], $0x80, s16, s16, $0xb8;
	[tilespmem:$0x1C200] =	vst v63  }
0x25: {  	_ =	swait.ge [sflag:s15], $0x4000  }
0x26: {  	[sflag:s15] =	ssyncset.done $0x0  }
0x27: {  	[sflag:s15] =	ssyncadd.s32 $0xFFFFC000  }
0x28: {  	_ =	swait.ge [sflag:s20], $0x100  }
0x29: {  	[sflag:s20] =	ssyncset.done $0x0  }
0x2a: {  	s31 =	sshrl.u32 s12, $0x3;
	[sflag:s20] =	ssyncadd.s32 $0xFFFFFF00  }
0x2b: {  	[tilespmem:s21], [sflag:$0x2] =	stream.indirect.gather [hbm4b:s5+s16], $0x80, s18, s16, $0xb8;
	[tilespmem:$0x1C200] =	vst v63  }
0x2c: {  	s26 =	sadd.s32 s6, s31  }
0x2d: {  	[tilespmem:s4], [sflag:$0x3] =	stream.linear.gather [hbm4b:s26+s4], $0x100, $0x38;
	[tilespmem:$0x1C200] =	vst v63  }
0x2e: {  	_ =	swait.ge [sflag:s22], $0x4000  }
0x2f: {  	[sflag:s22] =	ssyncset.done $0x0  }
0x30: {  	[sflag:s22] =	ssyncadd.s32 $0xFFFFC000  }
0x31: {  	[spmem:s2] =	stream.indirect.scatter.add.f32 [tilespmem:s21], [sflag:$0x5], $0x80, s23, s16, $0xb8;
	[tilespmem:$0x1C200] =	vst v63  }
0x32: {  	_ =	swait.ge [sflag:s15], $0x4000  }
0x33: {  	[sflag:s15] =	ssyncset.done $0x0  }
0x34: {  	[sflag:s15] =	ssyncadd.s32 $0xFFFFC000  }
0x35: {  	_ =	swait.ge [sflag:s24], $0x100  }
0x36: {  	s28 =	smov.u32 s12;
	s26 =	simm.s32 $0x40;
	[sflag:s24] =	ssyncset.done $0x0  }
.LBB2_2:
0x37: {  	p0 =	sne.s32 s26, $0x1340;
	[sflag:s24] =	ssyncadd.s32 $0xFFFFFF00;
	s28 =	sadd.s32 $0x200, s28  }
0x38: {  	[tilespmem:s17], [sflag:$0x1] =	stream.indirect.gather [hbm4b:s5+s16], $0x80, s4, s16, $0xb8;
	[tilespmem:$0x1C200] =	vst v63  }
0x39: {  	s29 =	sadd.s32 s26, s13;
	s26 =	sadd.s32 $0x40, s26  }
0x3a: {  	[tilespmem:s18], [sflag:$0x4] =	stream.linear.gather [hbm4b:s29+s4], $0x100, $0x38;
	[tilespmem:$0x1C200] =	vst v63  }
0x3b: {  	_ =	swait.ge [sflag:s19], $0x4000  }
0x3c: {  	[sflag:s19] =	ssyncset.done $0x0  }
0x3d: {  	[sflag:s19] =	ssyncadd.s32 $0xFFFFC000  }
0x3e: {  	[spmem:s2] =	stream.indirect.scatter.add.f32 [tilespmem:s17], [sflag:$0x5], $0x80, s16, s16, $0xb8;
	[tilespmem:$0x1C200] =	vst v63  }
0x3f: {  	_ =	swait.ge [sflag:s15], $0x4000  }
0x40: {  	[sflag:s15] =	ssyncset.done $0x0  }
0x41: {  	[sflag:s15] =	ssyncadd.s32 $0xFFFFC000  }
0x42: {  	_ =	swait.ge [sflag:s20], $0x100  }
0x43: {  	[sflag:s20] =	ssyncset.done $0x0  }
0x44: {  	s29 =	sshrl.u32 s28, $0x3;
	[sflag:s20] =	ssyncadd.s32 $0xFFFFFF00  }
0x45: {  	[tilespmem:s21], [sflag:$0x2] =	stream.indirect.gather [hbm4b:s5+s16], $0x80, s18, s16, $0xb8;
	[tilespmem:$0x1C200] =	vst v63  }
0x46: {  	s29 =	sadd.s32 s6, s29  }
0x47: {  	[tilespmem:s4], [sflag:$0x3] =	stream.linear.gather [hbm4b:s29+s4], $0x100, $0x38;
	[tilespmem:$0x1C200] =	vst v63  }
0x48: {  	_ =	swait.ge [sflag:s22], $0x4000  }
0x49: {  	[sflag:s22] =	ssyncset.done $0x0  }
0x4a: {  	[sflag:s22] =	ssyncadd.s32 $0xFFFFC000  }
0x4b: {  	[spmem:s2] =	stream.indirect.scatter.add.f32 [tilespmem:s21], [sflag:$0x5], $0x80, s23, s16, $0xb8;
	[tilespmem:$0x1C200] =	vst v63  }
.Ltmp0:
0x4c: {  	_ =	swait.ge [sflag:s15], $0x4000;
	(pc) =	sbr.rel @p0 .LBB2_2-.Ltmp0, $4  }
0x4d: {  	[sflag:s15] =	ssyncset.done $0x0  }
0x4e: {  	[sflag:s15] =	ssyncadd.s32 $0xFFFFC000  }
0x4f: {  	_ =	swait.ge [sflag:s24], $0x100  }
0x50: {  	[sflag:s24] =	ssyncset.done $0x0  }
0x51: {  	[sflag:s24] =	ssyncadd.s32 $0xFFFFFF00  }
0x52: {  	[tilespmem:s17], [sflag:$0x1] =	stream.indirect.gather [hbm4b:s5+s16], $0x80, s4, s16, $0xb8;
	[tilespmem:$0x1C200] =	vst v63  }
0x53: {  	_ = 	snop  }
0x54: {  	[tilespmem:s18], [sflag:$0x4] =	stream.linear.gather [hbm4b:s11+s4], $0x100, $0x38;
	[tilespmem:$0x1C200] =	vst v63  }
0x55: {  	_ =	swait.ge [sflag:s19], $0x4000  }
0x56: {  	[sflag:s19] =	ssyncset.done $0x0  }
0x57: {  	[sflag:s19] =	ssyncadd.s32 $0xFFFFC000  }
0x58: {  	[spmem:s2] =	stream.indirect.scatter.add.f32 [tilespmem:s17], [sflag:$0x5], $0x80, s16, s16, $0xb8;
	[tilespmem:$0x1C200] =	vst v63  }
0x59: {  	_ =	swait.ge [sflag:s15], $0x4000  }
0x5a: {  	[sflag:s15] =	ssyncset.done $0x0  }
0x5b: {  	[sflag:s15] =	ssyncadd.s32 $0xFFFFC000  }
0x5c: {  	_ =	swait.ge [sflag:s20], $0x100  }
0x5d: {  	[sflag:s20] =	ssyncset.done $0x0  }
0x5e: {  	[sflag:s20] =	ssyncadd.s32 $0xFFFFFF00  }
0x5f: {  	[tilespmem:s21], [sflag:$0x2] =	stream.indirect.gather [hbm4b:s5+s16], $0x80, s18, s16, $0xb8;
	[tilespmem:$0x1C200] =	vst v63  }
0x60: {  	_ =	swait.ge [sflag:s22], $0x4000  }
0x61: {  	[sflag:s22] =	ssyncset.done $0x0  }
0x62: {  	[sflag:s22] =	ssyncadd.s32 $0xFFFFC000  }
0x63: {  	[spmem:s2] =	stream.indirect.scatter.add.f32 [tilespmem:s21], [sflag:$0x5], $0x80, s23, s16, $0xb8;
	[tilespmem:$0x1C200] =	vst v63  }
0x64: {  	_ =	swait.ge [sflag:s15], $0x4000  }
0x65: {  	s25 =	sadd.s32 $0x1, s25;
	[sflag:s15] =	ssyncset.done $0x0  }
0x66: {  	p0 =	sne.s32 s25, s10;
	[sflag:s15] =	ssyncadd.s32 $0xFFFFC000  }
.Ltmp1:
0x67: {  	[bflag:$0x0] =	sbarrier.arrive $0xFFFF;
	(pc) =	sbr.rel @p0 .LBB2_1-.Ltmp1, $4  }
0x68: {  	[hbm:s9], [sflag:s7] =	dma.local [spmem:s14], $0x2800  }
0x69: {  	_ =	swait.ge [sflag:s15], $0x2800  }
0x6a: {  	[sflag:s15] =	ssyncset.done $0x0  }
0x6b: {  	[sflag:s15] =	ssyncadd.s32 $0xFFFFD800  }
0x6c: {  	_ =	sfence.sel $0x180000  }
0x6d: {  	[bflag:$0x0] =	sbarrier.arrive $0xFFFF  }
0x6e: {  	p0 =	sne.s32 s3, $0x0;
	_ =	strace $0x90000047  }
0x6f: {  	s0 =	sadd.s32 @!p0 $0x100000, s0;
	[bflag:$0x2] =	sbarrier.arrive $0xFFFF  }
0x70: {  	[sflag:s0] =	ssyncadd.tile.s32 @!p0 $0x1;
	_ =	shalt  }
.Lfunc_end2:
_tile_overlayer_lowered:
.L_overlay_start_2:
0x71: {  	(tag) =	ssettag $0x2  }
0x72: {  	s0 =	rddreg [dreg:$0x0];
	s2 =	stileid.u32  }
0x73: {  	s1 =	rddreg [dreg:$0x1];
	p0 =	sne.s32 s2, $0x0  }
0x74: {  	s3 =	rddreg [dreg:$0x2];
	[bflag:$0x3] =	sbarrier.arrive $0xFFFF;
	s2 =	simm.s32 @!p0 $0x1C05  }
0x75: {  	[timem:s3], [sflag:s2] =	dma.local @!p0 [hbm:s0], s1  }
0x76: {  	s0 =	simm.s32 @!p0 $0x5  }
0x77: {  	_ =	swait.ge @!p0 [sflag:s0], s1  }
0x78: {  	s1 =	ssub.s32 @!p0 $0x0, s1;
	[sflag:s0] =	ssyncset.done @!p0 $0x0  }
0x79: {  	[sflag:s0] =	ssyncadd.s32 @!p0 s1  }
0x7a: {  	[bflag:$0x3] =	sbarrier.arrive $0xFFFF  }
0x7b: {  	_ =	shalt  }

// kernel: kernel.16.cloned.1.call-start
scs
__scs_entry_jumppad:
0x0: {  	(pc) =	sbr.rel $0x88, $3  }
0x1: {  	(tag) =	ssettag $0x0;
	lr =	simm.s32 $0x1  }
0x2: {  	[smem:$0x3F8B] =	sst lr;
	_ =	strace $0xD0000000  }
0x3: {  	_ = 	snop  }
0x4: {  	_ = 	snop  }
0x5: {  	_ = 	snop  }
0x6: {  	_ = 	snop  }
0x7: {  	_ = 	snop  }
__scs_overlays_trampoline_lowered:
0x8: {  	[smem:$0x3F9A] =	sst s0  }
0x9: {  	[smem:$0x3F9B] =	sst s1  }
0xa: {  	[smem:$0x3F9C] =	sst s2  }
0xb: {  	[smem:$0x3F9D] =	sst s3  }
0xc: {  	[smem:$0x3F9E] =	sst s4  }
0xd: {  	[smem:$0x3F9F] =	sst s5  }
0xe: {  	[smem:$0x3FA0] =	sst s6  }
0xf: {  	[smem:$0x3FA1] =	sst s7  }
0x10: {  	[smem:$0x3FA2] =	sst s8  }
0x11: {  	[smem:$0x3FA3] =	sst s9;
	s0 =	simm.s32 @!p0 $0x0  }
0x12: {  	s1 =	sld [smem:$0x3F89];
	s0 =	simm.s32 @p0 $0x1  }
0x13: {  	[smem:$0x3FA4] =	sst s0;
	s0 =	simm.s32 @!p1 $0x0  }
0x14: {  	s2 =	sld [smem:$0x3F88];
	s0 =	simm.s32 @p1 $0x1  }
0x15: {  	[smem:$0x3FA5] =	sst s0;
	s0 =	simm.s32 @!p2 $0x0  }
0x16: {  	s3 =	sld [smem:$0x3FDB];
	s0 =	simm.s32 @p2 $0x1  }
0x17: {  	s4 =	simm.s32 $0x1BF5;
	[smem:$0x3FA7] =	sst s0  }
0x18: {  	s0 =	sld [smem:$0x3F8A];
	_ =	swait.ge [sflag:s4], $0x0  }
0x19: {  	s7 =	sld [smem:$0x3F8B]  }
0x1a: {  	s8 =	sadd.s32 $0xFFFFE003, lr  }
0x1b: {  	s9 =	sadd.s32 $0xFFFFFEF7, lr;
	s5 =	simm.s32 $0xFFFFFFFF;
	p2 =	slt.u32 s8, $0xFFFFF086  }
0x1c: {  	p1 =	slt.u32 s9, $0xF7A;
	s5 =	simm.s32 @!p2 $0x0  }
0x1d: {  	s5 =	simm.s32 @p1 $0x1;
	p0 =	seq.s32 s7, s2  }
0x1e: {  	s7 =	smul.u32 @!p0 $0xF7A, s2;
	p2 =	seq.s32 @!p0 s5, $0x0  }
0x1f: {  	s9 =	smul.u32 $0xF7A, s1;
	s8 =	simm.s32 @!p0 $0x1BF5;
	p2 =	por !p2, p0  }
0x20: {  	[sflag:s8] =	ssyncset.s32 @!p0 $0xFFFFF086;
	s6 =	sadd.s32 @!p0 s3, s7;
	s7 =	simm.s32 @!p0 $0x108  }
0x21: {  	s3 =	sadd.s32 s3, s9;
	s6 =	sadd.s32 @!p0 $0x88, s6;
	s7 =	simm.s32 @p2 $0x1082  }
0x22: {  	[simem:s7], [sflag:s8] =	dma.local @!p0 [hbm:s6], $0xF7A  }
0x23: {  	s9 =	sor.u32 $0xD0000000, s2;
	s6 =	simm.s32 $0x108;
	_ =	swait.ge @!p0 [sflag:s8], $0x0  }
0x24: {  	s3 =	sadd.s32 $0x88, s3;
	s6 =	simm.s32 @!p1 $0x1082;
	[sflag:s4] =	ssyncset.s32 $0xFFFFF086  }
0x25: {  	[simem:s6], [sflag:s4] =	dma.local [hbm:s3], $0xF7A  }
0x26: {  	[smem:$0x3F8B] =	sst s1;
	(tag) =	ssettag s2;
	_ =	strace s9  }
0x27: {  	s1 =	sld [smem:$0x3F9B]  }
0x28: {  	s2 =	sld [smem:$0x3F9C]  }
0x29: {  	s4 =	sld [smem:$0x3F9E]  }
0x2a: {  	p0 =	seq.s32 s5, $0x0;
	s5 =	sld [smem:$0x3F9F]  }
0x2b: {  	s6 =	sld [smem:$0x3FA0]  }
0x2c: {  	s7 =	sld [smem:$0x3FA1]  }
0x2d: {  	s3 =	simm.s32 $0x108;
	s8 =	sld [smem:$0x3FA2]  }
0x2e: {  	s3 =	simm.s32 @!p0 $0x1082;
	s9 =	sld [smem:$0x3FA3]  }
0x2f: {  	lr =	sadd.s32 s0, s3;
	s0 =	sld [smem:$0x3F9A]  }
0x30: {  	s3 =	sld [smem:$0x3F9D]  }
0x31: {  	[smem:$0x3FA6] =	sst s10  }
0x32: {  	s10 =	sld [smem:$0x3FA4];
	_ =	sdelay $0x3  }
0x33: {  	p0 =	seq.s32 s10, $0x1;
	s10 =	sld [smem:$0x3FA6];
	_ =	sdelay $0x3  }
0x34: {  	[smem:$0x3FA6] =	sst s10  }
0x35: {  	s10 =	sld [smem:$0x3FA5];
	_ =	sdelay $0x3  }
0x36: {  	p1 =	seq.s32 s10, $0x1;
	s10 =	sld [smem:$0x3FA6];
	_ =	sdelay $0x3  }
0x37: {  	[smem:$0x3FA6] =	sst s10  }
0x38: {  	s10 =	sld [smem:$0x3FA7]  }
0x39: {  	_ = 	snop;
	(pc) =	sbr.ind lr, $3  }
0x3a: {  	_ = 	snop  }
0x3b: {  	_ = 	snop  }
0x3c: {  	p2 =	seq.s32 s10, $0x1;
	s10 =	sld [smem:$0x3FA6]  }
0x3d: {  	_ =	shalt  }
0x3e: {  	_ =	shalt  }
0x3f: {  	_ =	shalt  }
0x40: {  	_ =	shalt  }
0x41: {  	_ =	shalt  }
0x42: {  	_ =	shalt  }
0x43: {  	_ =	shalt  }
0x44: {  	_ =	shalt  }
0x45: {  	_ =	shalt  }
0x46: {  	_ =	shalt  }
0x47: {  	_ =	shalt  }
0x48: {  	_ =	shalt  }
0x49: {  	_ =	shalt  }
0x4a: {  	_ =	shalt  }
0x4b: {  	_ =	shalt  }
0x4c: {  	_ =	shalt  }
0x4d: {  	_ =	shalt  }
0x4e: {  	_ =	shalt  }
0x4f: {  	_ =	shalt  }
0x50: {  	_ =	shalt  }
0x51: {  	_ =	shalt  }
0x52: {  	_ =	shalt  }
0x53: {  	_ =	shalt  }
0x54: {  	_ =	shalt  }
0x55: {  	_ =	shalt  }
0x56: {  	_ =	shalt  }
0x57: {  	_ =	shalt  }
0x58: {  	_ =	shalt  }
0x59: {  	_ =	shalt  }
0x5a: {  	_ =	shalt  }
0x5b: {  	_ =	shalt  }
0x5c: {  	_ =	shalt  }
0x5d: {  	_ =	shalt  }
0x5e: {  	_ =	shalt  }
0x5f: {  	_ =	shalt  }
0x60: {  	_ =	shalt  }
0x61: {  	_ =	shalt  }
0x62: {  	_ =	shalt  }
0x63: {  	_ =	shalt  }
0x64: {  	_ =	shalt  }
0x65: {  	_ =	shalt  }
0x66: {  	_ =	shalt  }
0x67: {  	_ =	shalt  }
0x68: {  	_ =	shalt  }
0x69: {  	_ =	shalt  }
0x6a: {  	_ =	shalt  }
0x6b: {  	_ =	shalt  }
0x6c: {  	_ =	shalt  }
0x6d: {  	_ =	shalt  }
0x6e: {  	_ =	shalt  }
0x6f: {  	_ =	shalt  }
0x70: {  	_ =	shalt  }
0x71: {  	_ =	shalt  }
0x72: {  	_ =	shalt  }
0x73: {  	_ =	shalt  }
0x74: {  	_ =	shalt  }
0x75: {  	_ =	shalt  }
0x76: {  	_ =	shalt  }
0x77: {  	_ =	shalt  }
0x78: {  	_ =	shalt  }
0x79: {  	_ =	shalt  }
0x7a: {  	_ =	shalt  }
0x7b: {  	_ =	shalt  }
0x7c: {  	_ =	shalt  }
0x7d: {  	_ =	shalt  }
0x7e: {  	_ =	shalt  }
0x7f: {  	_ =	shalt  }
0x80: {  	_ =	shalt  }
0x81: {  	_ =	shalt  }
0x82: {  	_ =	shalt  }
0x83: {  	_ =	shalt  }
0x84: {  	_ =	shalt  }
0x85: {  	_ =	shalt  }
0x86: {  	_ =	shalt  }
0x87: {  	_ =	shalt  }
.Lfunc_end0:
.L_simem_size_0:
called_computation.2_lowered:
.L_overlay_start_0:
0x88: {  	s2 =	sld [smem:$0x3FD9]  }
0x89: {  	s3 =	sld [smem:$0x3FFE];
	_ =	sdelay $0x1  }
0x8a: {  	s1 =	srdreg.scid  }
0x8b: {  	s0 =	sand.u32 $0x1, s1  }
0x8c: {  	s17 =	sshll.u32 s0, $0xA;
	s2 =	sadd.s32 s3, s2  }
0x8d: {  	s2 =	sadd.s32 s2, s17  }
0x8e: {  	[smem:$0x3FB2] =	sst s2  }
0x8f: {  	_ = 	snop  }
0x90: {  	s2 =	sld [smem:$0x3FD0];
	(tm) =	ssettm $0x1  }
0x91: {  	s18 =	sld [smem:$0x3FFB];
	_ =	sdelay $0x3  }
0x92: {  	_ =	strace s18  }
0x93: {  	s3 =	sld [smem:$0x3FFC];
	_ =	sdelay $0x3  }
0x94: {  	_ =	strace s3  }
0x95: {  	s3 =	sld [smem:$0x3FFD];
	_ =	sdelay $0x3  }
0x96: {  	_ =	strace s3  }
0x97: {  	_ =	strace $0x8FFFFFFF  }
0x98: {  	s19 =	sld [smem:$0x3FDB];
	_ =	sdelay $0x1  }
0x99: {  	s4 =	simm.s32 $_scs_section_size  }
0x9a: {  	s5 =	simm.s32 $_size__tile_overlayer_lowered;
	s6 =	simm.s32 $_tile_overlayer_lowered  }
0x9b: {  	s22 =	simm.s32 $0x1BFF;
	s21 =	sshll.u32 s6, $0x1;
	s3 =	sadd.s32 s4, s19  }
0x9c: {  	s7 =	simm.s32 $0x0;
	s20 =	sshll.u32 s5, $0x1;
	s5 =	sadd.s32 s21, s3  }
0x9d: {  	[timem:s7], [sflag:s22] =	dma.local [hbm:s5], s20  }
0x9e: {  	_ =	swait.ge [sflag:s22], s20  }
0x9f: {  	s4 =	ssub.s32 $0x0, s20;
	[sflag:s22] =	ssyncset.done $0x0  }
0xa0: {  	[sflag:s22] =	ssyncadd.s32 s4;
	_ =	sdelay $0x1  }
0xa1: {  	s23 =	simm.s32 $0x1B8B  }
0xa2: {  	_ =	swait.ge [sflag:s23], $0x1  }
0xa3: {  	[sflag:s23] =	ssyncset.done $0x0  }
0xa4: {  	s25 =	simm.s32 $0x1B8E;
	s24 =	sld [smem:$0x3FFE];
	[sflag:s23] =	ssyncadd.s32 $0xFFFFFFFF  }
0xa5: {  	s26 =	simm.s32 $execute0_lowered;
	[smem:$0x3FD2] =	sst s25  }
0xa6: {  	s5 =	sshll.u32 s26, $0x1;
	_ =	strace $0x8000004C;
	[dreg:$0x1] =	wrdreg $0xFFFFFFFF  }
0xa7: {  	s28 =	simm.s32 $_size_execute0_lowered;
	s3 =	sadd.s32 s3, s5;
	[dreg:$0x0] =	wrdreg $0x0  }
0xa8: {  	s5 =	sshll.u32 s28, $0x1;
	[dreg:$0x2] =	wrdreg s3  }
0xa9: {  	[dreg:$0x3] =	wrdreg s5  }
0xaa: {  	[dreg:$0x4] =	wrdreg $0xC0  }
0xab: {  	_ =	task [dreg:s7], $0x5FFFF  }
0xac: {  	[dreg:$0x1] =	wrdreg $0xFFFFFFFF  }
0xad: {  	[dreg:$0x0] =	wrdreg $0x60  }
0xae: {  	[dreg:$0x2] =	wrdreg s24  }
0xaf: {  	[dreg:$0x3] =	wrdreg s2  }
0xb0: {  	[dreg:$0x4] =	wrdreg $0x82000  }
0xb1: {  	[dreg:$0x5] =	wrdreg $0x9  }
0xb2: {  	_ =	task.clear_ibuf [dreg:s7], $0x6FFFF;
	_ =	strace $0x9000004C  }
0xb3: {  	s29 =	simm.s32 $0x9;
	_ =	strace $0x8000004E  }
0xb4: {  	_ =	swait.ge [sflag:s29], $0x1  }
0xb5: {  	[sflag:s29] =	ssyncadd.s32 $0xFFFFFFFF  }
0xb6: {  	_ =	strace $0x9000004E  }
0xb7: {  	_ =	sfence  }
0xb8: {  	s30 =	sld [smem:$0x0];
	_ =	sdelay $0x2  }
0xb9: {  	s31 =	sshll.u32 s1, $0xD;
	s1 =	sshrl.u32 s1, $0x2  }
0xba: {  	s3 =	sand.u32 $0x4000, s31;
	s1 =	sadd.s32 s1, s30  }
0xbb: {  	s0 =	sor.u32 s3, s0;
	s1 =	sshll.u32 s1, $0x11  }
0xbc: {  	s0 =	sor.u32 s1, s0  }
0xbd: {  	s0 =	sadd.s32 $0x8F2B, s0  }
0xbe: {  	[sflag:s0] =	ssyncadd.remote.s32 $0x1  }
0xbf: {  	_ =	sfence.sel $0xFFFF  }
0xc0: {  	[dreg:$0x0] =	wrdreg $0xFFFFFFFF;
	(pc) =	sbr.abs _section_cstart, $3  }
0xc1: {  	[dreg:$0x1] =	wrdreg $0xFFFFFFFF  }
0xc2: {  	_ =	task.clear_ibuf [dreg:s7], $0x2FFFF;
	_ =	strace $0x9FFFFFFF  }
0xc3: {  	(tm) =	ssettm $0x7FFFFFFF  }
tec
execute0_lowered:
.L_overlay_start_1:
0x0: {  	(tag) =	ssettag $0x1  }
0x1: {  	s7 =	rddreg [dreg:$0x0]  }
0x2: {  	s1 =	rddreg [dreg:$0x1]  }
0x3: {  	s2 =	rddreg [dreg:$0x2]  }
0x4: {  	s0 =	rddreg [dreg:$0x3]  }
0x5: {  	s4 =	simm.s32 $0x0;
	s3 =	srdreg.scid;
	s16 =	simm.s32 $0x80  }
0x6: {  	s17 =	simm.s32 $0x200;
	s18 =	simm.s32 $0x100;
	s19 =	simm.s32 $0x1  }
0x7: {  	s20 =	simm.s32 $0x4;
	s21 =	simm.s32 $0x4200;
	s8 =	sand.u32 $0x1, s3  }
0x8: {  	s22 =	simm.s32 $0x2;
	s3 =	stileid.u32;
	s9 =	smul.u32 $0x140000, s8  }
0x9: {  	s23 =	simm.s32 $0x180;
	s24 =	simm.s32 $0x3;
	s10 =	smul.u32 $0x14000, s3  }
0xa: {  	s25 =	simm.s32 $0x0;
	[smem:$0x7FF] =	sst s4;
	s12 =	smul.u32 $0x50000, s3  }
0xb: {  	s6 =	sshll.u32 s8, $0x4;
	s28 =	ssub.s32 $0x2, s8;
	s8 =	smul.u32 $0x9E000, s8  }
0xc: {  	s5 =	sadd.s32 $0x5400, s7;
	_ =	strace $0x8000004D;
	s14 =	smul.u32 $0x9E00, s3  }
0xd: {  	s29 =	sshll.u32 s3, $0x6;
	s11 =	sor.u32 s3, s6;
	s6 =	sadd.s32 $0x53600, s7  }
0xe: {  	s13 =	sshrl.u32 s28, $0x1;
	s9 =	sadd.s32 s10, s9;
	s26 =	smul.u32 $0x9E00, s11  }
0xf: {  	s12 =	sshrl.u32 s12, $0x2;
	s11 =	ssub.s32 s28, s13;
	s30 =	sadd.s32 s14, s8  }
0x10: {  	s9 =	sshrl.u32 s9, $0x3;
	s15 =	sadd.s32 s12, s2;
	s31 =	sor.u32 $0x100, s30  }
0x11: {  	s12 =	sadd.s32 $0x200, s30;
	s9 =	sadd.s32 s9, s7;
	s10 =	sshrl.u32 s26, $0x3  }
0x12: {  	s7 =	sor.u32 $0x1C05, s29;
	s13 =	sshrl.u32 s31, $0x3;
	s14 =	sshrl.u32 s15, $0x3  }
0x13: {  	s15 =	simm.s32 $0x5;
	s8 =	sadd.s32 s6, s10;
	s9 =	sadd.s32 $0x117200, s9  }
0x14: {  	s10 =	smax.u32 s11, $0x1;
	s13 =	sadd.s32 s13, s6;
	s11 =	sadd.s32 $0x13A0, s8  }
.LBB2_1:
0x15: {  	[spmem:s14], [sflag:s7] =	dma.local [hbm:s1], $0x2800  }
0x16: {  	_ =	swait.ge [sflag:s15], $0x2800  }
0x17: {  	[sflag:s15] =	ssyncset.done $0x0  }
0x18: {  	[sflag:s15] =	ssyncadd.s32 $0xFFFFD800  }
0x19: {  	[bflag:$0x0] =	sbarrier.arrive $0xFFFF  }
0x1a: {  	[tilespmem:s4], [sflag:$0x5] =	stream.linear.gather [hbm4b:s8+s4], $0x100, $0x38;
	[tilespmem:$0x1C200] =	vst v63  }
0x1b: {  	_ =	swait.ge [sflag:s15], $0x100  }
0x1c: {  	[sflag:s15] =	ssyncset.done $0x0  }
0x1d: {  	[sflag:s15] =	ssyncadd.s32 $0xFFFFFF00  }
0x1e: {  	[tilespmem:s17], [sflag:$0x1] =	stream.indirect.gather [hbm4b:s5+s16], $0x80, s4, s16, $0xb8;
	[tilespmem:$0x1C200] =	vst v63  }
0x1f: {  	s26 =	sadd.s32 $0x0, s13  }
0x20: {  	[tilespmem:s18], [sflag:$0x4] =	stream.linear.gather [hbm4b:s26+s4], $0x100, $0x38;
	[tilespmem:$0x1C200] =	vst v63  }
0x21: {  	_ =	swait.ge [sflag:s19], $0x4000  }
0x22: {  	[sflag:s19] =	ssyncset.done $0x0  }
0x23: {  	[sflag:s19] =	ssyncadd.s32 $0xFFFFC000  }
0x24: {  	[spmem:s2] =	stream.indirect.scatter.add.f32 [tilespmem:s17], [sflag:$0x5], $0x80, s16, s16, $0xb8;
	[tilespmem:$0x1C200] =	vst v63  }
0x25: {  	_ =	swait.ge [sflag:s15], $0x4000  }
0x26: {  	[sflag:s15] =	ssyncset.done $0x0  }
0x27: {  	[sflag:s15] =	ssyncadd.s32 $0xFFFFC000  }
0x28: {  	_ =	swait.ge [sflag:s20], $0x100  }
0x29: {  	[sflag:s20] =	ssyncset.done $0x0  }
0x2a: {  	s31 =	sshrl.u32 s12, $0x3;
	[sflag:s20] =	ssyncadd.s32 $0xFFFFFF00  }
0x2b: {  	[tilespmem:s21], [sflag:$0x2] =	stream.indirect.gather [hbm4b:s5+s16], $0x80, s18, s16, $0xb8;
	[tilespmem:$0x1C200] =	vst v63  }
0x2c: {  	s26 =	sadd.s32 s6, s31  }
0x2d: {  	[tilespmem:s4], [sflag:$0x3] =	stream.linear.gather [hbm4b:s26+s4], $0x100, $0x38;
	[tilespmem:$0x1C200] =	vst v63  }
0x2e: {  	_ =	swait.ge [sflag:s22], $0x4000  }
0x2f: {  	[sflag:s22] =	ssyncset.done $0x0  }
0x30: {  	[sflag:s22] =	ssyncadd.s32 $0xFFFFC000  }
0x31: {  	[spmem:s2] =	stream.indirect.scatter.add.f32 [tilespmem:s21], [sflag:$0x5], $0x80, s23, s16, $0xb8;
	[tilespmem:$0x1C200] =	vst v63  }
0x32: {  	_ =	swait.ge [sflag:s15], $0x4000  }
0x33: {  	[sflag:s15] =	ssyncset.done $0x0  }
0x34: {  	[sflag:s15] =	ssyncadd.s32 $0xFFFFC000  }
0x35: {  	_ =	swait.ge [sflag:s24], $0x100  }
0x36: {  	s28 =	smov.u32 s12;
	s26 =	simm.s32 $0x40;
	[sflag:s24] =	ssyncset.done $0x0  }
.LBB2_2:
0x37: {  	p0 =	sne.s32 s26, $0x1340;
	[sflag:s24] =	ssyncadd.s32 $0xFFFFFF00;
	s28 =	sadd.s32 $0x200, s28  }
0x38: {  	[tilespmem:s17], [sflag:$0x1] =	stream.indirect.gather [hbm4b:s5+s16], $0x80, s4, s16, $0xb8;
	[tilespmem:$0x1C200] =	vst v63  }
0x39: {  	s29 =	sadd.s32 s26, s13;
	s26 =	sadd.s32 $0x40, s26  }
0x3a: {  	[tilespmem:s18], [sflag:$0x4] =	stream.linear.gather [hbm4b:s29+s4], $0x100, $0x38;
	[tilespmem:$0x1C200] =	vst v63  }
0x3b: {  	_ =	swait.ge [sflag:s19], $0x4000  }
0x3c: {  	[sflag:s19] =	ssyncset.done $0x0  }
0x3d: {  	[sflag:s19] =	ssyncadd.s32 $0xFFFFC000  }
0x3e: {  	[spmem:s2] =	stream.indirect.scatter.add.f32 [tilespmem:s17], [sflag:$0x5], $0x80, s16, s16, $0xb8;
	[tilespmem:$0x1C200] =	vst v63  }
0x3f: {  	_ =	swait.ge [sflag:s15], $0x4000  }
0x40: {  	[sflag:s15] =	ssyncset.done $0x0  }
0x41: {  	[sflag:s15] =	ssyncadd.s32 $0xFFFFC000  }
0x42: {  	_ =	swait.ge [sflag:s20], $0x100  }
0x43: {  	[sflag:s20] =	ssyncset.done $0x0  }
0x44: {  	s29 =	sshrl.u32 s28, $0x3;
	[sflag:s20] =	ssyncadd.s32 $0xFFFFFF00  }
0x45: {  	[tilespmem:s21], [sflag:$0x2] =	stream.indirect.gather [hbm4b:s5+s16], $0x80, s18, s16, $0xb8;
	[tilespmem:$0x1C200] =	vst v63  }
0x46: {  	s29 =	sadd.s32 s6, s29  }
0x47: {  	[tilespmem:s4], [sflag:$0x3] =	stream.linear.gather [hbm4b:s29+s4], $0x100, $0x38;
	[tilespmem:$0x1C200] =	vst v63  }
0x48: {  	_ =	swait.ge [sflag:s22], $0x4000  }
0x49: {  	[sflag:s22] =	ssyncset.done $0x0  }
0x4a: {  	[sflag:s22] =	ssyncadd.s32 $0xFFFFC000  }
0x4b: {  	[spmem:s2] =	stream.indirect.scatter.add.f32 [tilespmem:s21], [sflag:$0x5], $0x80, s23, s16, $0xb8;
	[tilespmem:$0x1C200] =	vst v63  }
.Ltmp0:
0x4c: {  	_ =	swait.ge [sflag:s15], $0x4000;
	(pc) =	sbr.rel @p0 .LBB2_2-.Ltmp0, $4  }
0x4d: {  	[sflag:s15] =	ssyncset.done $0x0  }
0x4e: {  	[sflag:s15] =	ssyncadd.s32 $0xFFFFC000  }
0x4f: {  	_ =	swait.ge [sflag:s24], $0x100  }
0x50: {  	[sflag:s24] =	ssyncset.done $0x0  }
0x51: {  	[sflag:s24] =	ssyncadd.s32 $0xFFFFFF00  }
0x52: {  	[tilespmem:s17], [sflag:$0x1] =	stream.indirect.gather [hbm4b:s5+s16], $0x80, s4, s16, $0xb8;
	[tilespmem:$0x1C200] =	vst v63  }
0x53: {  	_ = 	snop  }
0x54: {  	[tilespmem:s18], [sflag:$0x4] =	stream.linear.gather [hbm4b:s11+s4], $0x100, $0x38;
	[tilespmem:$0x1C200] =	vst v63  }
0x55: {  	_ =	swait.ge [sflag:s19], $0x4000  }
0x56: {  	[sflag:s19] =	ssyncset.done $0x0  }
0x57: {  	[sflag:s19] =	ssyncadd.s32 $0xFFFFC000  }
0x58: {  	[spmem:s2] =	stream.indirect.scatter.add.f32 [tilespmem:s17], [sflag:$0x5], $0x80, s16, s16, $0xb8;
	[tilespmem:$0x1C200] =	vst v63  }
0x59: {  	_ =	swait.ge [sflag:s15], $0x4000  }
0x5a: {  	[sflag:s15] =	ssyncset.done $0x0  }
0x5b: {  	[sflag:s15] =	ssyncadd.s32 $0xFFFFC000  }
0x5c: {  	_ =	swait.ge [sflag:s20], $0x100  }
0x5d: {  	[sflag:s20] =	ssyncset.done $0x0  }
0x5e: {  	[sflag:s20] =	ssyncadd.s32 $0xFFFFFF00  }
0x5f: {  	[tilespmem:s21], [sflag:$0x2] =	stream.indirect.gather [hbm4b:s5+s16], $0x80, s18, s16, $0xb8;
	[tilespmem:$0x1C200] =	vst v63  }
0x60: {  	_ =	swait.ge [sflag:s22], $0x4000  }
0x61: {  	[sflag:s22] =	ssyncset.done $0x0  }
0x62: {  	[sflag:s22] =	ssyncadd.s32 $0xFFFFC000  }
0x63: {  	[spmem:s2] =	stream.indirect.scatter.add.f32 [tilespmem:s21], [sflag:$0x5], $0x80, s23, s16, $0xb8;
	[tilespmem:$0x1C200] =	vst v63  }
0x64: {  	_ =	swait.ge [sflag:s15], $0x4000  }
0x65: {  	s25 =	sadd.s32 $0x1, s25;
	[sflag:s15] =	ssyncset.done $0x0  }
0x66: {  	p0 =	sne.s32 s25, s10;
	[sflag:s15] =	ssyncadd.s32 $0xFFFFC000  }
.Ltmp1:
0x67: {  	[bflag:$0x0] =	sbarrier.arrive $0xFFFF;
	(pc) =	sbr.rel @p0 .LBB2_1-.Ltmp1, $4  }
0x68: {  	[hbm:s9], [sflag:s7] =	dma.local [spmem:s14], $0x2800  }
0x69: {  	_ =	swait.ge [sflag:s15], $0x2800  }
0x6a: {  	[sflag:s15] =	ssyncset.done $0x0  }
0x6b: {  	[sflag:s15] =	ssyncadd.s32 $0xFFFFD800  }
0x6c: {  	_ =	sfence.sel $0x180000  }
0x6d: {  	[bflag:$0x0] =	sbarrier.arrive $0xFFFF  }
0x6e: {  	p0 =	sne.s32 s3, $0x0;
	_ =	strace $0x9000004D  }
0x6f: {  	s0 =	sadd.s32 @!p0 $0x100000, s0;
	[bflag:$0x2] =	sbarrier.arrive $0xFFFF  }
0x70: {  	[sflag:s0] =	ssyncadd.tile.s32 @!p0 $0x1;
	_ =	shalt  }
.Lfunc_end2:
_tile_overlayer_lowered:
.L_overlay_start_2:
0x71: {  	(tag) =	ssettag $0x2  }
0x72: {  	s0 =	rddreg [dreg:$0x0];
	s2 =	stileid.u32  }
0x73: {  	s1 =	rddreg [dreg:$0x1];
	p0 =	sne.s32 s2, $0x0  }
0x74: {  	s3 =	rddreg [dreg:$0x2];
	[bflag:$0x3] =	sbarrier.arrive $0xFFFF;
	s2 =	simm.s32 @!p0 $0x1C05  }
0x75: {  	[timem:s3], [sflag:s2] =	dma.local @!p0 [hbm:s0], s1  }
0x76: {  	s0 =	simm.s32 @!p0 $0x5  }
0x77: {  	_ =	swait.ge @!p0 [sflag:s0], s1  }
0x78: {  	s1 =	ssub.s32 @!p0 $0x0, s1;
	[sflag:s0] =	ssyncset.done @!p0 $0x0  }
0x79: {  	[sflag:s0] =	ssyncadd.s32 @!p0 s1  }
0x7a: {  	[bflag:$0x3] =	sbarrier.arrive $0xFFFF  }
0x7b: {  	_ =	shalt  }

// kernel: kernel.19.cloned.1.call-start
scs
__scs_entry_jumppad:
0x0: {  	(pc) =	sbr.rel $0x88, $3  }
0x1: {  	(tag) =	ssettag $0x0;
	lr =	simm.s32 $0x1  }
0x2: {  	[smem:$0x3F8B] =	sst lr;
	_ =	strace $0xD0000000  }
0x3: {  	_ = 	snop  }
0x4: {  	_ = 	snop  }
0x5: {  	_ = 	snop  }
0x6: {  	_ = 	snop  }
0x7: {  	_ = 	snop  }
__scs_overlays_trampoline_lowered:
0x8: {  	[smem:$0x3F9A] =	sst s0  }
0x9: {  	[smem:$0x3F9B] =	sst s1  }
0xa: {  	[smem:$0x3F9C] =	sst s2  }
0xb: {  	[smem:$0x3F9D] =	sst s3  }
0xc: {  	[smem:$0x3F9E] =	sst s4  }
0xd: {  	[smem:$0x3F9F] =	sst s5  }
0xe: {  	[smem:$0x3FA0] =	sst s6  }
0xf: {  	[smem:$0x3FA1] =	sst s7  }
0x10: {  	[smem:$0x3FA2] =	sst s8  }
0x11: {  	[smem:$0x3FA3] =	sst s9;
	s0 =	simm.s32 @!p0 $0x0  }
0x12: {  	s1 =	sld [smem:$0x3F89];
	s0 =	simm.s32 @p0 $0x1  }
0x13: {  	[smem:$0x3FA4] =	sst s0;
	s0 =	simm.s32 @!p1 $0x0  }
0x14: {  	s2 =	sld [smem:$0x3F88];
	s0 =	simm.s32 @p1 $0x1  }
0x15: {  	[smem:$0x3FA5] =	sst s0;
	s0 =	simm.s32 @!p2 $0x0  }
0x16: {  	s3 =	sld [smem:$0x3FDB];
	s0 =	simm.s32 @p2 $0x1  }
0x17: {  	s4 =	simm.s32 $0x1BF5;
	[smem:$0x3FA7] =	sst s0  }
0x18: {  	s0 =	sld [smem:$0x3F8A];
	_ =	swait.ge [sflag:s4], $0x0  }
0x19: {  	s7 =	sld [smem:$0x3F8B]  }
0x1a: {  	s8 =	sadd.s32 $0xFFFFE003, lr  }
0x1b: {  	s9 =	sadd.s32 $0xFFFFFEF7, lr;
	s5 =	simm.s32 $0xFFFFFFFF;
	p2 =	slt.u32 s8, $0xFFFFF086  }
0x1c: {  	p1 =	slt.u32 s9, $0xF7A;
	s5 =	simm.s32 @!p2 $0x0  }
0x1d: {  	s5 =	simm.s32 @p1 $0x1;
	p0 =	seq.s32 s7, s2  }
0x1e: {  	s7 =	smul.u32 @!p0 $0xF7A, s2;
	p2 =	seq.s32 @!p0 s5, $0x0  }
0x1f: {  	s9 =	smul.u32 $0xF7A, s1;
	s8 =	simm.s32 @!p0 $0x1BF5;
	p2 =	por !p2, p0  }
0x20: {  	[sflag:s8] =	ssyncset.s32 @!p0 $0xFFFFF086;
	s6 =	sadd.s32 @!p0 s3, s7;
	s7 =	simm.s32 @!p0 $0x108  }
0x21: {  	s3 =	sadd.s32 s3, s9;
	s6 =	sadd.s32 @!p0 $0x88, s6;
	s7 =	simm.s32 @p2 $0x1082  }
0x22: {  	[simem:s7], [sflag:s8] =	dma.local @!p0 [hbm:s6], $0xF7A  }
0x23: {  	s9 =	sor.u32 $0xD0000000, s2;
	s6 =	simm.s32 $0x108;
	_ =	swait.ge @!p0 [sflag:s8], $0x0  }
0x24: {  	s3 =	sadd.s32 $0x88, s3;
	s6 =	simm.s32 @!p1 $0x1082;
	[sflag:s4] =	ssyncset.s32 $0xFFFFF086  }
0x25: {  	[simem:s6], [sflag:s4] =	dma.local [hbm:s3], $0xF7A  }
0x26: {  	[smem:$0x3F8B] =	sst s1;
	(tag) =	ssettag s2;
	_ =	strace s9  }
0x27: {  	s1 =	sld [smem:$0x3F9B]  }
0x28: {  	s2 =	sld [smem:$0x3F9C]  }
0x29: {  	s4 =	sld [smem:$0x3F9E]  }
0x2a: {  	p0 =	seq.s32 s5, $0x0;
	s5 =	sld [smem:$0x3F9F]  }
0x2b: {  	s6 =	sld [smem:$0x3FA0]  }
0x2c: {  	s7 =	sld [smem:$0x3FA1]  }
0x2d: {  	s3 =	simm.s32 $0x108;
	s8 =	sld [smem:$0x3FA2]  }
0x2e: {  	s3 =	simm.s32 @!p0 $0x1082;
	s9 =	sld [smem:$0x3FA3]  }
0x2f: {  	lr =	sadd.s32 s0, s3;
	s0 =	sld [smem:$0x3F9A]  }
0x30: {  	s3 =	sld [smem:$0x3F9D]  }
0x31: {  	[smem:$0x3FA6] =	sst s10  }
0x32: {  	s10 =	sld [smem:$0x3FA4];
	_ =	sdelay $0x3  }
0x33: {  	p0 =	seq.s32 s10, $0x1;
	s10 =	sld [smem:$0x3FA6];
	_ =	sdelay $0x3  }
0x34: {  	[smem:$0x3FA6] =	sst s10  }
0x35: {  	s10 =	sld [smem:$0x3FA5];
	_ =	sdelay $0x3  }
0x36: {  	p1 =	seq.s32 s10, $0x1;
	s10 =	sld [smem:$0x3FA6];
	_ =	sdelay $0x3  }
0x37: {  	[smem:$0x3FA6] =	sst s10  }
0x38: {  	s10 =	sld [smem:$0x3FA7]  }
0x39: {  	_ = 	snop;
	(pc) =	sbr.ind lr, $3  }
0x3a: {  	_ = 	snop  }
0x3b: {  	_ = 	snop  }
0x3c: {  	p2 =	seq.s32 s10, $0x1;
	s10 =	sld [smem:$0x3FA6]  }
0x3d: {  	_ =	shalt  }
0x3e: {  	_ =	shalt  }
0x3f: {  	_ =	shalt  }
0x40: {  	_ =	shalt  }
0x41: {  	_ =	shalt  }
0x42: {  	_ =	shalt  }
0x43: {  	_ =	shalt  }
0x44: {  	_ =	shalt  }
0x45: {  	_ =	shalt  }
0x46: {  	_ =	shalt  }
0x47: {  	_ =	shalt  }
0x48: {  	_ =	shalt  }
0x49: {  	_ =	shalt  }
0x4a: {  	_ =	shalt  }
0x4b: {  	_ =	shalt  }
0x4c: {  	_ =	shalt  }
0x4d: {  	_ =	shalt  }
0x4e: {  	_ =	shalt  }
0x4f: {  	_ =	shalt  }
0x50: {  	_ =	shalt  }
0x51: {  	_ =	shalt  }
0x52: {  	_ =	shalt  }
0x53: {  	_ =	shalt  }
0x54: {  	_ =	shalt  }
0x55: {  	_ =	shalt  }
0x56: {  	_ =	shalt  }
0x57: {  	_ =	shalt  }
0x58: {  	_ =	shalt  }
0x59: {  	_ =	shalt  }
0x5a: {  	_ =	shalt  }
0x5b: {  	_ =	shalt  }
0x5c: {  	_ =	shalt  }
0x5d: {  	_ =	shalt  }
0x5e: {  	_ =	shalt  }
0x5f: {  	_ =	shalt  }
0x60: {  	_ =	shalt  }
0x61: {  	_ =	shalt  }
0x62: {  	_ =	shalt  }
0x63: {  	_ =	shalt  }
0x64: {  	_ =	shalt  }
0x65: {  	_ =	shalt  }
0x66: {  	_ =	shalt  }
0x67: {  	_ =	shalt  }
0x68: {  	_ =	shalt  }
0x69: {  	_ =	shalt  }
0x6a: {  	_ =	shalt  }
0x6b: {  	_ =	shalt  }
0x6c: {  	_ =	shalt  }
0x6d: {  	_ =	shalt  }
0x6e: {  	_ =	shalt  }
0x6f: {  	_ =	shalt  }
0x70: {  	_ =	shalt  }
0x71: {  	_ =	shalt  }
0x72: {  	_ =	shalt  }
0x73: {  	_ =	shalt  }
0x74: {  	_ =	shalt  }
0x75: {  	_ =	shalt  }
0x76: {  	_ =	shalt  }
0x77: {  	_ =	shalt  }
0x78: {  	_ =	shalt  }
0x79: {  	_ =	shalt  }
0x7a: {  	_ =	shalt  }
0x7b: {  	_ =	shalt  }
0x7c: {  	_ =	shalt  }
0x7d: {  	_ =	shalt  }
0x7e: {  	_ =	shalt  }
0x7f: {  	_ =	shalt  }
0x80: {  	_ =	shalt  }
0x81: {  	_ =	shalt  }
0x82: {  	_ =	shalt  }
0x83: {  	_ =	shalt  }
0x84: {  	_ =	shalt  }
0x85: {  	_ =	shalt  }
0x86: {  	_ =	shalt  }
0x87: {  	_ =	shalt  }
.Lfunc_end0:
.L_simem_size_0:
called_computation.3_lowered:
.L_overlay_start_0:
0x88: {  	s2 =	sld [smem:$0x3FD9]  }
0x89: {  	s3 =	sld [smem:$0x3FFE];
	_ =	sdelay $0x1  }
0x8a: {  	s1 =	srdreg.scid  }
0x8b: {  	s0 =	sand.u32 $0x1, s1  }
0x8c: {  	s16 =	sshll.u32 s0, $0xA;
	s2 =	sadd.s32 s3, s2  }
0x8d: {  	s2 =	sadd.s32 s2, s16  }
0x8e: {  	[smem:$0x3FB2] =	sst s2  }
0x8f: {  	_ = 	snop  }
0x90: {  	(tm) =	ssettm $0x1  }
0x91: {  	s17 =	sld [smem:$0x3FFB];
	_ =	sdelay $0x3  }
0x92: {  	_ =	strace s17  }
0x93: {  	s2 =	sld [smem:$0x3FFC];
	_ =	sdelay $0x3  }
0x94: {  	_ =	strace s2  }
0x95: {  	s2 =	sld [smem:$0x3FFD];
	_ =	sdelay $0x3  }
0x96: {  	_ =	strace s2  }
0x97: {  	_ =	strace $0x8FFFFFFF  }
0x98: {  	s18 =	sld [smem:$0x3FDB];
	_ =	sdelay $0x1  }
0x99: {  	s19 =	simm.s32 $_scs_section_size  }
0x9a: {  	s4 =	simm.s32 $_size__tile_overlayer_lowered;
	s5 =	simm.s32 $_tile_overlayer_lowered  }
0x9b: {  	s22 =	simm.s32 $0x1BFF;
	s21 =	sshll.u32 s5, $0x1;
	s2 =	sadd.s32 s19, s18  }
0x9c: {  	s6 =	simm.s32 $0x0;
	s20 =	sshll.u32 s4, $0x1;
	s4 =	sadd.s32 s21, s2  }
0x9d: {  	[timem:s6], [sflag:s22] =	dma.local [hbm:s4], s20  }
0x9e: {  	_ =	swait.ge [sflag:s22], s20  }
0x9f: {  	s3 =	ssub.s32 $0x0, s20;
	[sflag:s22] =	ssyncset.done $0x0  }
0xa0: {  	[sflag:s22] =	ssyncadd.s32 s3;
	_ =	sdelay $0x1  }
0xa1: {  	s23 =	simm.s32 $0x1B8B  }
0xa2: {  	_ =	swait.ge [sflag:s23], $0x1  }
0xa3: {  	[sflag:s23] =	ssyncset.done $0x0  }
0xa4: {  	s25 =	simm.s32 $0x1B8E;
	s24 =	sld [smem:$0x3FFE];
	[sflag:s23] =	ssyncadd.s32 $0xFFFFFFFF  }
0xa5: {  	s26 =	simm.s32 $execute0_lowered;
	[smem:$0x3FD2] =	sst s25  }
0xa6: {  	s4 =	sshll.u32 s26, $0x1;
	_ =	strace $0x8000004F;
	[dreg:$0x1] =	wrdreg $0xFFFFFFFF  }
0xa7: {  	s28 =	simm.s32 $_size_execute0_lowered;
	s2 =	sadd.s32 s2, s4;
	[dreg:$0x0] =	wrdreg $0x0  }
0xa8: {  	s4 =	sshll.u32 s28, $0x1;
	[dreg:$0x2] =	wrdreg s2  }
0xa9: {  	[dreg:$0x3] =	wrdreg s4  }
0xaa: {  	[dreg:$0x4] =	wrdreg $0xC0  }
0xab: {  	_ =	task [dreg:s6], $0x5FFFF  }
0xac: {  	[dreg:$0x1] =	wrdreg $0xFFFFFFFF  }
0xad: {  	[dreg:$0x0] =	wrdreg $0x60  }
0xae: {  	[dreg:$0x2] =	wrdreg s24  }
0xaf: {  	[dreg:$0x3] =	wrdreg $0x9  }
0xb0: {  	_ =	task.clear_ibuf [dreg:s6], $0x4FFFF;
	_ =	strace $0x9000004F  }
0xb1: {  	s29 =	simm.s32 $0x9;
	_ =	strace $0x80000051  }
0xb2: {  	_ =	swait.ge [sflag:s29], $0x1  }
0xb3: {  	[sflag:s29] =	ssyncadd.s32 $0xFFFFFFFF  }
0xb4: {  	_ =	strace $0x90000051  }
0xb5: {  	_ =	sfence  }
0xb6: {  	s30 =	sld [smem:$0x0];
	_ =	sdelay $0x2  }
0xb7: {  	s31 =	sshll.u32 s1, $0xD;
	s1 =	sshrl.u32 s1, $0x2  }
0xb8: {  	s3 =	sand.u32 $0x4000, s31;
	s1 =	sadd.s32 s1, s30  }
0xb9: {  	s0 =	sor.u32 s3, s0;
	s1 =	sshll.u32 s1, $0x11  }
0xba: {  	s0 =	sor.u32 s1, s0  }
0xbb: {  	s0 =	sadd.s32 $0x8F2B, s0  }
0xbc: {  	[sflag:s0] =	ssyncadd.remote.s32 $0x1  }
0xbd: {  	_ =	sfence.sel $0xFFFF  }
0xbe: {  	[dreg:$0x0] =	wrdreg $0xFFFFFFFF;
	(pc) =	sbr.abs _section_cstart, $3  }
0xbf: {  	[dreg:$0x1] =	wrdreg $0xFFFFFFFF  }
0xc0: {  	_ =	task.clear_ibuf [dreg:s6], $0x2FFFF;
	_ =	strace $0x9FFFFFFF  }
0xc1: {  	(tm) =	ssettm $0x7FFFFFFF  }
tec
execute0_lowered:
.L_overlay_start_1:
0x0: {  	(tag) =	ssettag $0x1  }
0x1: {  	s4 =	rddreg [dreg:$0x0]  }
0x2: {  	s1 =	srdreg.scid;
	s0 =	rddreg [dreg:$0x1]  }
0x3: {  	s2 =	simm.s32 $0x0;
	s11 =	simm.s32 $0x100;
	s12 =	simm.s32 $0x4100  }
0x4: {  	s13 =	simm.s32 $0x1;
	s14 =	simm.s32 $0x2;
	s5 =	sand.u32 $0x1, s1  }
0x5: {  	s15 =	simm.s32 $0x0;
	s1 =	stileid.u32;
	s6 =	smul.u32 $0x6800, s5  }
0x6: {  	[smem:$0x7FF] =	sst s2;
	s3 =	sadd.s32 $0x5400, s4;
	s7 =	smul.u32 $0x680, s1  }
0x7: {  	_ =	strace $0x80000050;
	s8 =	smul.u32 $0x68000, s5;
	s5 =	ssub.s32 $0x2, s5  }
0x8: {  	s29 =	smul.u32 $0x6800, s1;
	s9 =	sshrl.u32 s5, $0x1;
	s6 =	sadd.s32 s7, s6  }
0x9: {  	s8 =	sadd.s32 s8, s4;
	s30 =	ssub.s32 s5, s9;
	s6 =	sshrl.u32 s6, $0x3  }
0xa: {  	s9 =	simm.s32 $0x3;
	s31 =	sadd.s32 s29, s8;
	s10 =	sadd.s32 s6, s4  }
0xb: {  	s4 =	smax.u32 s30, $0x1;
	s5 =	sadd.s32 $0x7E200, s31;
	s6 =	sadd.s32 $0x14E200, s31  }
0xc: {  	s7 =	sadd.s32 $0x7AE00, s10;
	s8 =	sadd.s32 $0x7C800, s10;
	s10 =	simm.s32 $0x80  }
.LBB2_1:
0xd: {  	s16 =	sadd.s32 $0x0, s8  }
0xe: {  	[tilespmem:s2], [sflag:$0x3] =	stream.linear.gather [hbm4b:s16+s2], $0x80, $0x38;
	[tilespmem:$0x8100] =	vst v63  }
0xf: {  	_ =	swait.ge [sflag:s9], $0x80  }
0x10: {  	[sflag:s9] =	ssyncset.done $0x0  }
0x11: {  	s31 =	sadd.s32 $0x0, s7;
	[sflag:s9] =	ssyncadd.s32 $0xFFFFFF80  }
0x12: {  	[tilespmem:s10], [sflag:$0x3] =	stream.linear.gather [hbm4b:s31+s2], $0x80, $0x38;
	[tilespmem:$0x8100] =	vst v63  }
0x13: {  	_ =	swait.ge [sflag:s9], $0x80  }
0x14: {  	[sflag:s9] =	ssyncset.done $0x0  }
0x15: {  	[sflag:s9] =	ssyncadd.s32 $0xFFFFFF80  }
0x16: {  	[tilespmem:s11], [sflag:$0x1] =	stream.indirect.gather [hbm4b:s3+s10], $0x80, s2, s10, $0xb8;
	[tilespmem:$0x8100] =	vst v63  }
0x17: {  	_ = 	snop  }
0x18: {  	[tilespmem:s12], [sflag:$0x2] =	stream.indirect.gather [hbm4b:s3+s10], $0x80, s10, s10, $0xb8;
	[tilespmem:$0x8100] =	vst v63  }
0x19: {  	_ =	swait.ge [sflag:s13], $0x4000  }
0x1a: {  	[sflag:s13] =	ssyncset.done $0x0  }
0x1b: {  	[sflag:s13] =	ssyncadd.s32 $0xFFFFC000  }
0x1c: {  	_ =	swait.ge [sflag:s14], $0x4000  }
0x1d: {  	[sflag:s14] =	ssyncset.done $0x0  }
0x1e: {  	[sflag:s14] =	ssyncadd.s32 $0xFFFFC000  }
0x1f: {  	[hbm4b:s5+s2] =	stream.linear.scatter [tilespmem:s11], [sflag:$0x3], $0x4000, $0x38;
	[tilespmem:$0x8100] =	vst v63  }
0x20: {  	_ =	swait.ge [sflag:s9], $0x4000  }
0x21: {  	[sflag:s9] =	ssyncset.done $0x0  }
0x22: {  	[sflag:s9] =	ssyncadd.s32 $0xFFFFC000  }
0x23: {  	[hbm4b:s6+s2] =	stream.linear.scatter [tilespmem:s12], [sflag:$0x3], $0x4000, $0x38;
	[tilespmem:$0x8100] =	vst v63  }
0x24: {  	s18 =	simm.s32 $0x10;
	s19 =	simm.s32 $0x20;
	_ =	swait.ge [sflag:s9], $0x4000  }
0x25: {  	s17 =	sadd.s32 $0x800, s5;
	s16 =	sadd.s32 $0x800, s6;
	[sflag:s9] =	ssyncset.done $0x0  }
.LBB2_2:
0x26: {  	s20 =	sadd.s32 s18, s8  }
0x27: {  	[sflag:s9] =	ssyncadd.s32 $0xFFFFC000;
	s21 =	smov.u32 s19;
	s22 =	sadd.s32 $0x10, s19  }
0x28: {  	[tilespmem:s2], [sflag:$0x3] =	stream.linear.gather [hbm4b:s20+s2], $0x80, $0x38;
	[tilespmem:$0x8100] =	vst v63  }
0x29: {  	p0 =	sne.s32 s19, $0xC0;
	_ =	swait.ge [sflag:s9], $0x80  }
0x2a: {  	[sflag:s9] =	ssyncset.done $0x0  }
0x2b: {  	s19 =	sadd.s32 s18, s7;
	s18 =	smov.u32 s21;
	[sflag:s9] =	ssyncadd.s32 $0xFFFFFF80  }
0x2c: {  	[tilespmem:s10], [sflag:$0x3] =	stream.linear.gather [hbm4b:s19+s2], $0x80, $0x38;
	[tilespmem:$0x8100] =	vst v63  }
0x2d: {  	_ =	swait.ge [sflag:s9], $0x80  }
0x2e: {  	[sflag:s9] =	ssyncset.done $0x0  }
0x2f: {  	[sflag:s9] =	ssyncadd.s32 $0xFFFFFF80  }
0x30: {  	[tilespmem:s11], [sflag:$0x1] =	stream.indirect.gather [hbm4b:s3+s10], $0x80, s2, s10, $0xb8;
	[tilespmem:$0x8100] =	vst v63  }
0x31: {  	_ = 	snop  }
0x32: {  	[tilespmem:s12], [sflag:$0x2] =	stream.indirect.gather [hbm4b:s3+s10], $0x80, s10, s10, $0xb8;
	[tilespmem:$0x8100] =	vst v63  }
0x33: {  	_ =	swait.ge [sflag:s13], $0x4000  }
0x34: {  	[sflag:s13] =	ssyncset.done $0x0  }
0x35: {  	[sflag:s13] =	ssyncadd.s32 $0xFFFFC000  }
0x36: {  	_ =	swait.ge [sflag:s14], $0x4000  }
0x37: {  	[sflag:s14] =	ssyncset.done $0x0  }
0x38: {  	[sflag:s14] =	ssyncadd.s32 $0xFFFFC000  }
0x39: {  	[hbm4b:s17+s2] =	stream.linear.scatter [tilespmem:s11], [sflag:$0x3], $0x4000, $0x38;
	[tilespmem:$0x8100] =	vst v63  }
0x3a: {  	_ =	swait.ge [sflag:s9], $0x4000  }
.Ltmp0:
0x3b: {  	[sflag:s9] =	ssyncset.done $0x0;
	(pc) =	sbr.rel @p0 .LBB2_2-.Ltmp0, $4  }
0x3c: {  	[sflag:s9] =	ssyncadd.s32 $0xFFFFC000  }
0x3d: {  	[hbm4b:s16+s2] =	stream.linear.scatter [tilespmem:s12], [sflag:$0x3], $0x4000, $0x38;
	[tilespmem:$0x8100] =	vst v63  }
0x3e: {  	s19 =	smov.u32 s22;
	_ =	swait.ge [sflag:s9], $0x4000  }
0x3f: {  	s17 =	sadd.s32 $0x800, s17;
	s16 =	sadd.s32 $0x800, s16;
	[sflag:s9] =	ssyncset.done $0x0  }
0x40: {  	s19 =	sadd.s32 s18, s8;
	[sflag:s9] =	ssyncadd.s32 $0xFFFFC000  }
0x41: {  	[tilespmem:s2], [sflag:$0x3] =	stream.linear.gather [hbm4b:s19+s2], $0x80, $0x38;
	[tilespmem:$0x8100] =	vst v63  }
0x42: {  	_ =	swait.ge [sflag:s9], $0x80  }
0x43: {  	[sflag:s9] =	ssyncset.done $0x0  }
0x44: {  	s31 =	sadd.s32 s18, s7;
	[sflag:s9] =	ssyncadd.s32 $0xFFFFFF80  }
0x45: {  	[tilespmem:s10], [sflag:$0x3] =	stream.linear.gather [hbm4b:s31+s2], $0x80, $0x38;
	[tilespmem:$0x8100] =	vst v63  }
0x46: {  	_ =	swait.ge [sflag:s9], $0x80  }
0x47: {  	[sflag:s9] =	ssyncset.done $0x0  }
0x48: {  	[sflag:s9] =	ssyncadd.s32 $0xFFFFFF80  }
0x49: {  	[tilespmem:s11], [sflag:$0x1] =	stream.indirect.gather [hbm4b:s3+s10], $0x80, s2, s10, $0xb8;
	[tilespmem:$0x8100] =	vst v63  }
0x4a: {  	_ = 	snop  }
0x4b: {  	[tilespmem:s12], [sflag:$0x2] =	stream.indirect.gather [hbm4b:s3+s10], $0x80, s10, s10, $0xb8;
	[tilespmem:$0x8100] =	vst v63  }
0x4c: {  	_ =	swait.ge [sflag:s13], $0x4000  }
0x4d: {  	[sflag:s13] =	ssyncset.done $0x0  }
0x4e: {  	[sflag:s13] =	ssyncadd.s32 $0xFFFFC000  }
0x4f: {  	_ =	swait.ge [sflag:s14], $0x4000  }
0x50: {  	[sflag:s14] =	ssyncset.done $0x0  }
0x51: {  	[sflag:s14] =	ssyncadd.s32 $0xFFFFC000  }
0x52: {  	[hbm4b:s17+s2] =	stream.linear.scatter [tilespmem:s11], [sflag:$0x3], $0x4000, $0x38;
	[tilespmem:$0x8100] =	vst v63  }
0x53: {  	s15 =	sadd.s32 $0x1, s15;
	_ =	swait.ge [sflag:s9], $0x4000  }
0x54: {  	p0 =	sne.s32 s15, s4;
	[sflag:s9] =	ssyncset.done $0x0  }
.Ltmp1:
0x55: {  	[sflag:s9] =	ssyncadd.s32 $0xFFFFC000;
	(pc) =	sbr.rel @p0 .LBB2_1-.Ltmp1, $4  }
0x56: {  	[hbm4b:s16+s2] =	stream.linear.scatter [tilespmem:s12], [sflag:$0x3], $0x4000, $0x38;
	[tilespmem:$0x8100] =	vst v63  }
0x57: {  	_ =	swait.ge [sflag:s9], $0x4000  }
0x58: {  	[sflag:s9] =	ssyncset.done $0x0  }
0x59: {  	[sflag:s9] =	ssyncadd.s32 $0xFFFFC000  }
0x5a: {  	_ =	sfence.sel $0x180000  }
0x5b: {  	[bflag:$0x0] =	sbarrier.arrive $0xFFFF  }
0x5c: {  	p0 =	sne.s32 s1, $0x0;
	_ =	strace $0x90000050  }
0x5d: {  	s0 =	sadd.s32 @!p0 $0x100000, s0;
	[bflag:$0x2] =	sbarrier.arrive $0xFFFF  }
0x5e: {  	[sflag:s0] =	ssyncadd.tile.s32 @!p0 $0x1;
	_ =	shalt  }
.Lfunc_end2:
_tile_overlayer_lowered:
.L_overlay_start_2:
0x5f: {  	(tag) =	ssettag $0x2  }
0x60: {  	s0 =	rddreg [dreg:$0x0];
	s2 =	stileid.u32  }
0x61: {  	s1 =	rddreg [dreg:$0x1];
	p0 =	sne.s32 s2, $0x0  }
0x62: {  	s3 =	rddreg [dreg:$0x2];
	[bflag:$0x3] =	sbarrier.arrive $0xFFFF;
	s2 =	simm.s32 @!p0 $0x1C03  }
0x63: {  	[timem:s3], [sflag:s2] =	dma.local @!p0 [hbm:s0], s1  }
0x64: {  	s0 =	simm.s32 @!p0 $0x3  }
0x65: {  	_ =	swait.ge @!p0 [sflag:s0], s1  }
0x66: {  	s1 =	ssub.s32 @!p0 $0x0, s1;
	[sflag:s0] =	ssyncset.done @!p0 $0x0  }
0x67: {  	[sflag:s0] =	ssyncadd.s32 @!p0 s1  }
0x68: {  	[bflag:$0x3] =	sbarrier.arrive $0xFFFF  }
0x69: {  	_ =	shalt  }

</sc_bundles>
